<compile_context>
chip_gen: v7x
topology: tpu7x:2x2x1
jax: 0.10.2.dev20260603
libtpu: 0.0.44.dev20260713+nightly
codegen_flags: <defaults>
</compile_context>

<pallas_src>
import numpy as np
import jax
import jax.numpy as jnp
from jax import lax
from jax.experimental import pallas as pl
from jax.experimental.pallas import tpu as pltpu
from jax.experimental.pallas import tpu_sc as plsc

_B, _L = 16, 4096
_MIN_TOKENS = 10
_ND = _L // _MIN_TOKENS
_NKEEP = _L - _ND
_NS = 16
_LANES = 16


def _threefry2x32_hash(k1, k2, x0, x1):
    def rotl(x, d):
        return ((x << np.uint32(d)) | (x >> np.uint32(32 - d))).astype(np.uint32)

    rotations = ((13, 15, 26, 6), (17, 29, 16, 24))
    ks = (np.uint32(k1), np.uint32(k2),
          np.uint32(k1) ^ np.uint32(k2) ^ np.uint32(0x1BD11BDA))
    x = [x0.astype(np.uint32) + ks[0], x1.astype(np.uint32) + ks[1]]
    with np.errstate(over="ignore"):
        for r in range(5):
            for rot in rotations[r % 2]:
                x[0] = (x[0] + x[1]).astype(np.uint32)
                x[1] = x[0] ^ rotl(x[1], rot)
            x[0] = (x[0] + ks[(r + 1) % 3]).astype(np.uint32)
            x[1] = (x[1] + ks[(r + 2) % 3] + np.uint32(r + 1)).astype(np.uint32)
    return x[0], x[1]


def _np_permutation(row: int) -> np.ndarray:
    o0, o1 = _threefry2x32_hash(0, 42, np.array([0], np.uint32),
                                np.array([row], np.uint32))
    key = (o0[0], o1[0])
    num_rounds = int(np.ceil(3 * np.log(max(1, _L)) / np.log(2**32 - 1)))
    x = np.arange(_L)
    for _ in range(num_rounds):
        b1, b2 = _threefry2x32_hash(key[0], key[1], np.zeros(2, np.uint32),
                                    np.arange(2, dtype=np.uint32))
        key, subkey = (b1[0], b2[0]), (b1[1], b2[1])
        r1, r2 = _threefry2x32_hash(subkey[0], subkey[1],
                                    np.zeros(_L, np.uint32),
                                    np.arange(_L, dtype=np.uint32))
        x = x[np.argsort(r1 ^ r2, kind="stable")]
    return x


def _gather_table() -> np.ndarray:
    rows = []
    for i in range(_B):
        if i % 2 == 1:
            perm = _np_permutation(i)
            drop = np.zeros(_L, dtype=bool)
            drop[perm[:_ND]] = True
            order = np.argsort(drop, kind="stable").astype(np.int32)
            order[_NKEEP:] = _L
            rows.append(order)
        else:
            rows.append(np.arange(_L, dtype=np.int32))
    return np.concatenate(rows)


_GIDX = _gather_table()


def _body_one(x_ref, gidx_ref, pad_ref, out_ref, row_v, gidx_v, out_v,
              sem_a, sem_b, sem_c):
    i32 = np.int32
    row = lax.axis_index("s")
    rbase = row * i32(_L)
    c_row = pltpu.make_async_copy(x_ref.at[pl.ds(rbase, _L)],
                                  row_v.at[pl.ds(0, _L)], sem_a)
    c_gidx = pltpu.make_async_copy(gidx_ref.at[pl.ds(rbase, _L)],
                                   gidx_v, sem_b)
    c_pad = pltpu.make_async_copy(pad_ref, row_v.at[pl.ds(_L, _LANES)],
                                  sem_c)
    c_row.start()
    c_gidx.start()
    c_pad.start()
    c_gidx.wait()
    c_pad.wait()
    c_row.wait()

    def step(_, off):
        idx = gidx_v[pl.ds(off, _LANES)]
        out_v[pl.ds(off, _LANES)] = plsc.load_gather(row_v, [idx])
        return off + i32(_LANES)

    half = _L // 2
    lax.fori_loop(0, half // _LANES, step, i32(0), unroll=8)
    c_out0 = pltpu.make_async_copy(out_v.at[pl.ds(0, half)],
                                   out_ref.at[pl.ds(rbase, half)], sem_a)
    c_out0.start()
    lax.fori_loop(0, half // _LANES, step, i32(half), unroll=8)
    c_out1 = pltpu.make_async_copy(
        out_v.at[pl.ds(half, half)],
        out_ref.at[pl.ds(rbase + i32(half), half)], sem_b)
    c_out1.start()
    c_out0.wait()
    c_out1.wait()


def _body_two(xs_ref, gidx_ref, ys_ref,
              rlo_v, rhi_v, gidx_v, olo_v, ohi_v, sem_a, sem_b, sem_c,
              sem_d):
    i32 = np.int32
    BL = _B * _L
    HALF = _L // 2
    cid = lax.axis_index("c")
    sid = lax.axis_index("s")
    wid = sid * i32(2) + cid
    row = wid // i32(2)
    hsel = wid - row * i32(2)
    rbase = row * i32(_L)
    obase = rbase + hsel * i32(HALF)
    c_lo = pltpu.make_async_copy(xs_ref.at[pl.ds(rbase, _L)],
                                 rlo_v.at[pl.ds(0, _L)], sem_a)
    c_hi = pltpu.make_async_copy(xs_ref.at[pl.ds(rbase + i32(BL), _L)],
                                 rhi_v.at[pl.ds(0, _L)], sem_b)
    c_gidx = pltpu.make_async_copy(gidx_ref.at[pl.ds(obase, HALF)],
                                   gidx_v, sem_c)
    c_pad = pltpu.make_async_copy(xs_ref.at[pl.ds(2 * BL, _LANES)],
                                  rlo_v.at[pl.ds(_L, _LANES)], sem_d)
    c_lo.start()
    c_hi.start()
    c_gidx.start()
    c_pad.start()
    rhi_v[pl.ds(_L, _LANES)] = jnp.zeros((_LANES,), jnp.int32)
    c_gidx.wait()
    c_pad.wait()
    c_lo.wait()
    c_hi.wait()

    def step(_, off):
        idx = gidx_v[pl.ds(off, _LANES)]
        olo_v[pl.ds(off, _LANES)] = plsc.load_gather(rlo_v, [idx])
        ohi_v[pl.ds(off, _LANES)] = plsc.load_gather(rhi_v, [idx])
        return off + i32(_LANES)

    quarter = HALF // 2
    lax.fori_loop(0, quarter // _LANES, step, i32(0), unroll=8)
    c_out0 = pltpu.make_async_copy(olo_v.at[pl.ds(0, quarter)],
                                   ys_ref.at[pl.ds(obase, quarter)], sem_a)
    c_out1 = pltpu.make_async_copy(
        ohi_v.at[pl.ds(0, quarter)],
        ys_ref.at[pl.ds(obase + i32(BL), quarter)], sem_b)
    c_out0.start()
    c_out1.start()
    lax.fori_loop(0, quarter // _LANES, step, i32(quarter), unroll=8)
    c_out2 = pltpu.make_async_copy(
        olo_v.at[pl.ds(quarter, quarter)],
        ys_ref.at[pl.ds(obase + i32(quarter), quarter)], sem_c)
    c_out3 = pltpu.make_async_copy(
        ohi_v.at[pl.ds(quarter, quarter)],
        ys_ref.at[pl.ds(obase + i32(BL + quarter), quarter)], sem_d)
    c_out2.start()
    c_out3.start()
    c_out0.wait()
    c_out1.wait()
    c_out2.wait()
    c_out3.wait()


_COMPILER_PARAMS = dict(
    needs_layout_passes=False,
    disable_bounds_checks=True,
    disable_semaphore_checks=True,
    skip_device_barrier=True,
)


def kernel(input_ids):
    dt = input_ids.dtype
    gidx = jnp.asarray(_GIDX)
    mesh = plsc.VectorSubcoreMesh(core_axis_name="c", subcore_axis_name="s",
                                  num_cores=1, num_subcores=_NS)
    pad = jnp.where(input_ids[0, 0] == 0,
                    jnp.zeros_like(input_ids[0, 0]),
                    jnp.ones_like(input_ids[0, 0]))
    if dt.itemsize == 8:
        x = input_ids.reshape(-1)
        lo = lax.bitcast_convert_type(
            lax.convert_element_type(
                jnp.bitwise_and(x, np.int64(0xFFFFFFFF)), jnp.uint32),
            jnp.int32)
        hi = lax.convert_element_type(
            lax.shift_right_arithmetic(x, np.int64(32)), jnp.int32)
        pad_arr = jnp.broadcast_to(
            lax.convert_element_type(pad, jnp.int32), (_LANES,))
        xs = jnp.concatenate([lo, hi, pad_arr])
        mesh2 = plsc.VectorSubcoreMesh(core_axis_name="c",
                                       subcore_axis_name="s",
                                       num_cores=2, num_subcores=_NS)
        fn = pl.kernel(
            _body_two,
            out_type=jax.ShapeDtypeStruct((2 * _B * _L,), jnp.int32),
            mesh=mesh2,
            scratch_types=[
                pltpu.VMEM((_L + _LANES,), jnp.int32),
                pltpu.VMEM((_L + _LANES,), jnp.int32),
                pltpu.VMEM((_L // 2,), jnp.int32),
                pltpu.VMEM((_L // 2,), jnp.int32),
                pltpu.VMEM((_L // 2,), jnp.int32),
                pltpu.SemaphoreType.DMA,
                pltpu.SemaphoreType.DMA,
                pltpu.SemaphoreType.DMA,
                pltpu.SemaphoreType.DMA,
            ],
            compiler_params=pltpu.CompilerParams(**_COMPILER_PARAMS),
        )
        ys = fn(xs, gidx)
        olo, ohi = ys[:_B * _L], ys[_B * _L:]
        out = jnp.bitwise_or(
            lax.shift_left(lax.convert_element_type(ohi, jnp.int64),
                           np.int64(32)),
            lax.convert_element_type(
                lax.bitcast_convert_type(olo, jnp.uint32), jnp.int64))
        return lax.convert_element_type(out, dt).reshape(_B, _L)
    else:
        xw = lax.bitcast_convert_type(input_ids, jnp.int32).reshape(-1)
        pad_arr = lax.bitcast_convert_type(
            jnp.broadcast_to(pad, (_LANES,)), jnp.int32)
        fn = pl.kernel(
            _body_one,
            out_type=jax.ShapeDtypeStruct((_B * _L,), jnp.int32),
            mesh=mesh,
            scratch_types=[
                pltpu.VMEM((_L + _LANES,), jnp.int32),
                pltpu.VMEM((_L,), jnp.int32),
                pltpu.VMEM((_L,), jnp.int32),
                pltpu.SemaphoreType.DMA,
                pltpu.SemaphoreType.DMA,
                pltpu.SemaphoreType.DMA,
            ],
            compiler_params=pltpu.CompilerParams(**_COMPILER_PARAMS),
        )
        outw = fn(xw, gidx, pad_arr)
        return lax.bitcast_convert_type(outw.reshape(_B, _L), dt)

# --- scband reference (transcript-rebuilt; emitter-appended) ---
"""Pipeline reference for scband-random-dropout-17669495456303 (READ-ONLY COPY).

The authoritative reference and input builder live on the scoring server;
editing this copy changes nothing except your own understanding.
"""

import jax
jax.config.update("jax_enable_x64", True)
import jax.numpy as jnp
import numpy as np

N_DROPOUT = 1
MIN_TOKENS = 10
DYNAMIC_DROPOUT = True


def setup_inputs() -> dict:
    B, L = 16, 4096
    # arange fill guarantees input_ids[0][0] == 0, which the module interprets
    # as the padding token; all other values are > 0 (real tokens).
    input_ids = jnp.arange(B * L, dtype=jnp.int64).reshape(B, L)
    return {"input_ids": input_ids}


def _get_padding_token(input_ids):
    first = input_ids[0, 0]
    return jnp.where(first == 0, jnp.zeros_like(first), jnp.ones_like(first))


def reference(input_ids):
    # module is in training mode by default (nn.Module.training == True)
    batch_size = input_ids.shape[0]
    padding_token = _get_padding_token(input_ids)
    out = input_ids
    key = jax.random.key(42)
    for i in range(1, batch_size, 2):
        sequence = out[i]
        # setup_inputs guarantees every token in rows >= 1 exceeds the padding
        # token, so the token count equals the static sequence length.
        n_tokens = sequence.shape[0]
        n_dropout = (n_tokens // MIN_TOKENS) if DYNAMIC_DROPOUT else N_DROPOUT
        perm = jax.random.permutation(jax.random.fold_in(key, i), n_tokens)
        ind = perm[:n_dropout]
        if DYNAMIC_DROPOUT:
            if ind.shape[0] == 0:
                continue
        elif n_tokens < MIN_TOKENS:
            continue
        # scatter-overwrite selected positions with padding
        sequence = sequence.at[ind].set(padding_token)
        # compact: stable partition places surviving tokens first, in order,
        # followed by the padding-valued positions.
        order = jnp.argsort(sequence == padding_token, stable=True)
        result = sequence[order]
        out = out.at[i].set(result)
    return out

if __name__ == "__main__":
    import jax
    _d = setup_inputs()
    print(jax.jit(kernel)(*tuple(_d.values())))

</pallas_src>

<mosaic_0001>
#map = affine_map<(d0, d1) -> (0)>
module attributes {stable_mosaic.version = 14 : i64} {
  func.func @_body_two(%arg0: i32, %arg1: i32, %arg2: memref<131088xi32, #tpu.memory_space<hbm>>, %arg3: memref<65536xi32, #tpu.memory_space<hbm>>, %arg4: memref<131072xi32, #tpu.memory_space<hbm>>, %arg5: memref<4112xi32, #tpu.memory_space<vmem>>, %arg6: memref<4112xi32, #tpu.memory_space<vmem>>, %arg7: memref<2048xi32, #tpu.memory_space<vmem>>, %arg8: memref<2048xi32, #tpu.memory_space<vmem>>, %arg9: memref<2048xi32, #tpu.memory_space<vmem>>, %arg10: memref<!tpu.dma_semaphore, #tpu.memory_space<semaphore_mem>>, %arg11: memref<!tpu.dma_semaphore, #tpu.memory_space<semaphore_mem>>, %arg12: memref<!tpu.dma_semaphore, #tpu.memory_space<semaphore_mem>>, %arg13: memref<!tpu.dma_semaphore, #tpu.memory_space<semaphore_mem>>) attributes {dimension_semantics = [#tpu.dimension_semantics<core_parallel>, #tpu.dimension_semantics<subcore_parallel>], iteration_bounds = array<i64: 2, 16>, scalar_prefetch = 0 : i64, scratch_operands = 9 : i64, tpu.core_type = #tpu.core_type<sc_vector_subcore>, window_params = [{transform_indices = #map}, {transform_indices = #map}, {transform_indices = #map}]} {
    %mul3A = arith.constant 2 : i32
    %mul3A_0 = arith.muli %arg1, %mul3A : i32
    %add3A = arith.addi %mul3A_0, %arg0 : i32
    %jit3A = arith.constant 2 : i32
    %div3A = arith.divsi %add3A, %jit3A : i32
    %sign3A = arith.constant 0 : i32
    %sign3A_1 = arith.cmpi sgt, %add3A, %sign3A : i32
    %sign3A_2 = arith.extui %sign3A_1 : i1 to i32
    %sign3A_3 = arith.constant 0 : i32
    %sign3A_4 = arith.cmpi slt, %add3A, %sign3A_3 : i32
    %sign3A_5 = arith.extui %sign3A_4 : i1 to i32
    %sign3A_6 = arith.subi %sign3A_2, %sign3A_5 : i32
    %sign3A_7 = arith.constant 0 : i32
    %sign3A_8 = arith.cmpi sgt, %jit3A, %sign3A_7 : i32
    %sign3A_9 = arith.extui %sign3A_8 : i1 to i32
    %sign3A_10 = arith.constant 0 : i32
    %sign3A_11 = arith.cmpi slt, %jit3A, %sign3A_10 : i32
    %sign3A_12 = arith.extui %sign3A_11 : i1 to i32
    %sign3A_13 = arith.subi %sign3A_9, %sign3A_12 : i32
    %ne3A = arith.cmpi ne, %sign3A_6, %sign3A_13 : i32
    %rem3A = arith.remsi %add3A, %jit3A : i32
    %ne3A_14 = arith.constant 0 : i32
    %ne3A_15 = arith.cmpi ne, %rem3A, %ne3A_14 : i32
    %and3A = arith.andi %ne3A, %ne3A_15 : i1
    %sub3A = arith.constant 1 : i32
    %sub3A_16 = arith.subi %div3A, %sub3A : i32
    %select_n3A = arith.select %and3A, %sub3A_16, %div3A : i32
    %mul3A_17 = arith.constant 2 : i32
    %mul3A_18 = arith.muli %select_n3A, %mul3A_17 : i32
    %sub3A_19 = arith.subi %add3A, %mul3A_18 : i32
    %mul3A_20 = arith.constant 4096 : i32
    %mul3A_21 = arith.muli %select_n3A, %mul3A_20 : i32
    %mul3A_22 = arith.constant 2048 : i32
    %mul3A_23 = arith.muli %sub3A_19, %mul3A_22 : i32
    %add3A_24 = arith.addi %mul3A_21, %mul3A_23 : i32
    %add3A_25 = arith.constant 65536 : i32
    %add3A_26 = arith.addi %mul3A_21, %add3A_25 : i32
    %dma_start3A = arith.constant 0 : i32
    %dma_start3A_27 = tpu.memref_slice %arg5[%dma_start3A] : memref<4112xi32, #tpu.memory_space<vmem>> -> memref<4096xi32, #tpu.memory_space<vmem>>
    %dma_start3A_28 = tpu.memref_slice %arg2[%mul3A_21] : memref<131088xi32, #tpu.memory_space<hbm>> -> memref<4096xi32, #tpu.memory_space<hbm>>
    %dma_start3A_29 = arith.constant 0 : i32
    %dma_start3A_30 = tpu.memref_slice %arg5[%dma_start3A_29] : memref<4112xi32, #tpu.memory_space<vmem>> -> memref<4096xi32, #tpu.memory_space<vmem>>
    %dma_start3A_31 = tpu.memref_slice %arg2[%mul3A_21] : memref<131088xi32, #tpu.memory_space<hbm>> -> memref<4096xi32, #tpu.memory_space<hbm>>
    tpu.enqueue_dma source(%dma_start3A_31 : memref<4096xi32, #tpu.memory_space<hbm>>) target(%dma_start3A_30 : memref<4096xi32, #tpu.memory_space<vmem>>) target_semaphore(%arg10 : memref<!tpu.dma_semaphore, #tpu.memory_space<semaphore_mem>>)
    %dma_start3A_32 = arith.constant 0 : i32
    %dma_start3A_33 = tpu.memref_slice %arg6[%dma_start3A_32] : memref<4112xi32, #tpu.memory_space<vmem>> -> memref<4096xi32, #tpu.memory_space<vmem>>
    %dma_start3A_34 = tpu.memref_slice %arg2[%add3A_26] : memref<131088xi32, #tpu.memory_space<hbm>> -> memref<4096xi32, #tpu.memory_space<hbm>>
    %dma_start3A_35 = arith.constant 0 : i32
    %dma_start3A_36 = tpu.memref_slice %arg6[%dma_start3A_35] : memref<4112xi32, #tpu.memory_space<vmem>> -> memref<4096xi32, #tpu.memory_space<vmem>>
    %dma_start3A_37 = tpu.memref_slice %arg2[%add3A_26] : memref<131088xi32, #tpu.memory_space<hbm>> -> memref<4096xi32, #tpu.memory_space<hbm>>
    tpu.enqueue_dma source(%dma_start3A_37 : memref<4096xi32, #tpu.memory_space<hbm>>) target(%dma_start3A_36 : memref<4096xi32, #tpu.memory_space<vmem>>) target_semaphore(%arg11 : memref<!tpu.dma_semaphore, #tpu.memory_space<semaphore_mem>>)
    %dma_start3A_38 = tpu.memref_slice %arg3[%add3A_24] : memref<65536xi32, #tpu.memory_space<hbm>> -> memref<2048xi32, #tpu.memory_space<hbm>>
    %dma_start3A_39 = tpu.memref_slice %arg3[%add3A_24] : memref<65536xi32, #tpu.memory_space<hbm>> -> memref<2048xi32, #tpu.memory_space<hbm>>
    tpu.enqueue_dma source(%dma_start3A_39 : memref<2048xi32, #tpu.memory_space<hbm>>) target(%arg7 : memref<2048xi32, #tpu.memory_space<vmem>>) target_semaphore(%arg12 : memref<!tpu.dma_semaphore, #tpu.memory_space<semaphore_mem>>)
    %dma_start3A_40 = arith.constant 4096 : i32
    %dma_start3A_41 = tpu.memref_slice %arg5[%dma_start3A_40] : memref<4112xi32, #tpu.memory_space<vmem>> -> memref<16xi32, #tpu.memory_space<vmem>>
    %dma_start3A_42 = arith.constant 131072 : i32
    %dma_start3A_43 = tpu.memref_slice %arg2[%dma_start3A_42] : memref<131088xi32, #tpu.memory_space<hbm>> -> memref<16xi32, #tpu.memory_space<hbm>>
    %dma_start3A_44 = arith.constant 4096 : i32
    %dma_start3A_45 = tpu.memref_slice %arg5[%dma_start3A_44] : memref<4112xi32, #tpu.memory_space<vmem>> -> memref<16xi32, #tpu.memory_space<vmem>>
    %dma_start3A_46 = arith.constant 131072 : i32
    %dma_start3A_47 = tpu.memref_slice %arg2[%dma_start3A_46] : memref<131088xi32, #tpu.memory_space<hbm>> -> memref<16xi32, #tpu.memory_space<hbm>>
    tpu.enqueue_dma source(%dma_start3A_47 : memref<16xi32, #tpu.memory_space<hbm>>) target(%dma_start3A_45 : memref<16xi32, #tpu.memory_space<vmem>>) target_semaphore(%arg13 : memref<!tpu.dma_semaphore, #tpu.memory_space<semaphore_mem>>)
    %broadcast_in_dim3A = arith.constant 0 : i32
    %broadcast_in_dim3A_48 = vector.broadcast %broadcast_in_dim3A : i32 to vector<16xi32>
    %swap3A = arith.constant 4096 : index
    %swap3A_49 = tpu.vector_load %arg6[%swap3A] {strides = array<i32>} : memref<4112xi32, #tpu.memory_space<vmem>>, vector<16xi32>,
    tpu.vector_store %arg6[%swap3A], %broadcast_in_dim3A_48 {strides = array<i32>} : memref<4112xi32, #tpu.memory_space<vmem>>, vector<16xi32>,
    %dma_wait3A = tpu.memref_slice %arg3[%add3A_24] : memref<65536xi32, #tpu.memory_space<hbm>> -> memref<2048xi32, #tpu.memory_space<hbm>>
    %dma_wait3A_50 = tpu.memref_slice %arg3[%add3A_24] : memref<65536xi32, #tpu.memory_space<hbm>> -> memref<2048xi32, #tpu.memory_space<hbm>>
    tpu.wait_dma2 semaphore(%arg12 : memref<!tpu.dma_semaphore, #tpu.memory_space<semaphore_mem>>) src(%dma_wait3A_50 : memref<2048xi32, #tpu.memory_space<hbm>>) dst(%arg7 : memref<2048xi32, #tpu.memory_space<vmem>>)
    %dma_wait3A_51 = arith.constant 4096 : i32
    %dma_wait3A_52 = tpu.memref_slice %arg5[%dma_wait3A_51] : memref<4112xi32, #tpu.memory_space<vmem>> -> memref<16xi32, #tpu.memory_space<vmem>>
    %dma_wait3A_53 = arith.constant 131072 : i32
    %dma_wait3A_54 = tpu.memref_slice %arg2[%dma_wait3A_53] : memref<131088xi32, #tpu.memory_space<hbm>> -> memref<16xi32, #tpu.memory_space<hbm>>
    %dma_wait3A_55 = arith.constant 4096 : i32
    %dma_wait3A_56 = tpu.memref_slice %arg5[%dma_wait3A_55] : memref<4112xi32, #tpu.memory_space<vmem>> -> memref<16xi32, #tpu.memory_space<vmem>>
    %dma_wait3A_57 = arith.constant 131072 : i32
    %dma_wait3A_58 = tpu.memref_slice %arg2[%dma_wait3A_57] : memref<131088xi32, #tpu.memory_space<hbm>> -> memref<16xi32, #tpu.memory_space<hbm>>
    tpu.wait_dma2 semaphore(%arg13 : memref<!tpu.dma_semaphore, #tpu.memory_space<semaphore_mem>>) src(%dma_wait3A_58 : memref<16xi32, #tpu.memory_space<hbm>>) dst(%dma_wait3A_56 : memref<16xi32, #tpu.memory_space<vmem>>)
    %dma_wait3A_59 = arith.constant 0 : i32
    %dma_wait3A_60 = tpu.memref_slice %arg5[%dma_wait3A_59] : memref<4112xi32, #tpu.memory_space<vmem>> -> memref<4096xi32, #tpu.memory_space<vmem>>
    %dma_wait3A_61 = tpu.memref_slice %arg2[%mul3A_21] : memref<131088xi32, #tpu.memory_space<hbm>> -> memref<4096xi32, #tpu.memory_space<hbm>>
    %dma_wait3A_62 = arith.constant 0 : i32
    %dma_wait3A_63 = tpu.memref_slice %arg5[%dma_wait3A_62] : memref<4112xi32, #tpu.memory_space<vmem>> -> memref<4096xi32, #tpu.memory_space<vmem>>
    %dma_wait3A_64 = tpu.memref_slice %arg2[%mul3A_21] : memref<131088xi32, #tpu.memory_space<hbm>> -> memref<4096xi32, #tpu.memory_space<hbm>>
    tpu.wait_dma2 semaphore(%arg10 : memref<!tpu.dma_semaphore, #tpu.memory_space<semaphore_mem>>) src(%dma_wait3A_64 : memref<4096xi32, #tpu.memory_space<hbm>>) dst(%dma_wait3A_63 : memref<4096xi32, #tpu.memory_space<vmem>>)
    %dma_wait3A_65 = arith.constant 0 : i32
    %dma_wait3A_66 = tpu.memref_slice %arg6[%dma_wait3A_65] : memref<4112xi32, #tpu.memory_space<vmem>> -> memref<4096xi32, #tpu.memory_space<vmem>>
    %dma_wait3A_67 = tpu.memref_slice %arg2[%add3A_26] : memref<131088xi32, #tpu.memory_space<hbm>> -> memref<4096xi32, #tpu.memory_space<hbm>>
    %dma_wait3A_68 = arith.constant 0 : i32
    %dma_wait3A_69 = tpu.memref_slice %arg6[%dma_wait3A_68] : memref<4112xi32, #tpu.memory_space<vmem>> -> memref<4096xi32, #tpu.memory_space<vmem>>
    %dma_wait3A_70 = tpu.memref_slice %arg2[%add3A_26] : memref<131088xi32, #tpu.memory_space<hbm>> -> memref<4096xi32, #tpu.memory_space<hbm>>
    tpu.wait_dma2 semaphore(%arg11 : memref<!tpu.dma_semaphore, #tpu.memory_space<semaphore_mem>>) src(%dma_wait3A_70 : memref<4096xi32, #tpu.memory_space<hbm>>) dst(%dma_wait3A_69 : memref<4096xi32, #tpu.memory_space<vmem>>)
    %scan3A = arith.constant 0 : i32
    %scan3A_71 = arith.constant 0 : i32
    %scan3A_72 = arith.constant 64 : i32
    %scan3A_73 = arith.addi %scan3A_71, %scan3A_72 : i32
    %scan3A_74 = arith.constant 8 : i32
    %scan3A_75 = scf.for %scan3A_138 = %scan3A_71 to %scan3A_73 step %scan3A_74 iter_args(%scan3A_139 = %scan3A) -> (i32)  : i32 {
      %get3A = arith.index_cast %scan3A_139 : i32 to index
      %get3A_140 = tpu.vector_load %arg7[%get3A] {strides = array<i32>} : memref<2048xi32, #tpu.memory_space<vmem>>, vector<16xi32>,
      %gather3A = tpu.vector_load_idx %arg5[%get3A_140] : memref<4112xi32, #tpu.memory_space<vmem>>[vector<16xi32>], vector<16xi32>,
      %swap3A_141 = arith.index_cast %scan3A_139 : i32 to index
      %swap3A_142 = tpu.vector_load %arg8[%swap3A_141] {strides = array<i32>} : memref<2048xi32, #tpu.memory_space<vmem>>, vector<16xi32>,
      tpu.vector_store %arg8[%swap3A_141], %gather3A {strides = array<i32>} : memref<2048xi32, #tpu.memory_space<vmem>>, vector<16xi32>,
      %gather3A_143 = tpu.vector_load_idx %arg6[%get3A_140] : memref<4112xi32, #tpu.memory_space<vmem>>[vector<16xi32>], vector<16xi32>,
      %swap3A_144 = arith.index_cast %scan3A_139 : i32 to index
      %swap3A_145 = tpu.vector_load %arg9[%swap3A_144] {strides = array<i32>} : memref<2048xi32, #tpu.memory_space<vmem>>, vector<16xi32>,
      tpu.vector_store %arg9[%swap3A_144], %gather3A_143 {strides = array<i32>} : memref<2048xi32, #tpu.memory_space<vmem>>, vector<16xi32>,
      %add3A_146 = arith.constant 16 : i32
      %add3A_147 = arith.addi %scan3A_139, %add3A_146 : i32
      %scan3A_148 = arith.constant 1 : i32
      %scan3A_149 = arith.addi %scan3A_138, %scan3A_148 : i32
      %get3A_150 = arith.index_cast %add3A_147 : i32 to index
      %get3A_151 = tpu.vector_load %arg7[%get3A_150] {strides = array<i32>} : memref<2048xi32, #tpu.memory_space<vmem>>, vector<16xi32>,
      %gather3A_152 = tpu.vector_load_idx %arg5[%get3A_151] : memref<4112xi32, #tpu.memory_space<vmem>>[vector<16xi32>], vector<16xi32>,
      %swap3A_153 = arith.index_cast %add3A_147 : i32 to index
      %swap3A_154 = tpu.vector_load %arg8[%swap3A_153] {strides = array<i32>} : memref<2048xi32, #tpu.memory_space<vmem>>, vector<16xi32>,
      tpu.vector_store %arg8[%swap3A_153], %gather3A_152 {strides = array<i32>} : memref<2048xi32, #tpu.memory_space<vmem>>, vector<16xi32>,
      %gather3A_155 = tpu.vector_load_idx %arg6[%get3A_151] : memref<4112xi32, #tpu.memory_space<vmem>>[vector<16xi32>], vector<16xi32>,
      %swap3A_156 = arith.index_cast %add3A_147 : i32 to index
      %swap3A_157 = tpu.vector_load %arg9[%swap3A_156] {strides = array<i32>} : memref<2048xi32, #tpu.memory_space<vmem>>, vector<16xi32>,
      tpu.vector_store %arg9[%swap3A_156], %gather3A_155 {strides = array<i32>} : memref<2048xi32, #tpu.memory_space<vmem>>, vector<16xi32>,
      %add3A_158 = arith.constant 16 : i32
      %add3A_159 = arith.addi %add3A_147, %add3A_158 : i32
      %scan3A_160 = arith.constant 2 : i32
      %scan3A_161 = arith.addi %scan3A_138, %scan3A_160 : i32
      %get3A_162 = arith.index_cast %add3A_159 : i32 to index
      %get3A_163 = tpu.vector_load %arg7[%get3A_162] {strides = array<i32>} : memref<2048xi32, #tpu.memory_space<vmem>>, vector<16xi32>,
      %gather3A_164 = tpu.vector_load_idx %arg5[%get3A_163] : memref<4112xi32, #tpu.memory_space<vmem>>[vector<16xi32>], vector<16xi32>,
      %swap3A_165 = arith.index_cast %add3A_159 : i32 to index
      %swap3A_166 = tpu.vector_load %arg8[%swap3A_165] {strides = array<i32>} : memref<2048xi32, #tpu.memory_space<vmem>>, vector<16xi32>,
      tpu.vector_store %arg8[%swap3A_165], %gather3A_164 {strides = array<i32>} : memref<2048xi32, #tpu.memory_space<vmem>>, vector<16xi32>,
      %gather3A_167 = tpu.vector_load_idx %arg6[%get3A_163] : memref<4112xi32, #tpu.memory_space<vmem>>[vector<16xi32>], vector<16xi32>,
      %swap3A_168 = arith.index_cast %add3A_159 : i32 to index
      %swap3A_169 = tpu.vector_load %arg9[%swap3A_168] {strides = array<i32>} : memref<2048xi32, #tpu.memory_space<vmem>>, vector<16xi32>,
      tpu.vector_store %arg9[%swap3A_168], %gather3A_167 {strides = array<i32>} : memref<2048xi32, #tpu.memory_space<vmem>>, vector<16xi32>,
      %add3A_170 = arith.constant 16 : i32
      %add3A_171 = arith.addi %add3A_159, %add3A_170 : i32
      %scan3A_172 = arith.constant 3 : i32
      %scan3A_173 = arith.addi %scan3A_138, %scan3A_172 : i32
      %get3A_174 = arith.index_cast %add3A_171 : i32 to index
      %get3A_175 = tpu.vector_load %arg7[%get3A_174] {strides = array<i32>} : memref<2048xi32, #tpu.memory_space<vmem>>, vector<16xi32>,
      %gather3A_176 = tpu.vector_load_idx %arg5[%get3A_175] : memref<4112xi32, #tpu.memory_space<vmem>>[vector<16xi32>], vector<16xi32>,
      %swap3A_177 = arith.index_cast %add3A_171 : i32 to index
      %swap3A_178 = tpu.vector_load %arg8[%swap3A_177] {strides = array<i32>} : memref<2048xi32, #tpu.memory_space<vmem>>, vector<16xi32>,
      tpu.vector_store %arg8[%swap3A_177], %gather3A_176 {strides = array<i32>} : memref<2048xi32, #tpu.memory_space<vmem>>, vector<16xi32>,
      %gather3A_179 = tpu.vector_load_idx %arg6[%get3A_175] : memref<4112xi32, #tpu.memory_space<vmem>>[vector<16xi32>], vector<16xi32>,
      %swap3A_180 = arith.index_cast %add3A_171 : i32 to index
      %swap3A_181 = tpu.vector_load %arg9[%swap3A_180] {strides = array<i32>} : memref<2048xi32, #tpu.memory_space<vmem>>, vector<16xi32>,
      tpu.vector_store %arg9[%swap3A_180], %gather3A_179 {strides = array<i32>} : memref<2048xi32, #tpu.memory_space<vmem>>, vector<16xi32>,
      %add3A_182 = arith.constant 16 : i32
      %add3A_183 = arith.addi %add3A_171, %add3A_182 : i32
      %scan3A_184 = arith.constant 4 : i32
      %scan3A_185 = arith.addi %scan3A_138, %scan3A_184 : i32
      %get3A_186 = arith.index_cast %add3A_183 : i32 to index
      %get3A_187 = tpu.vector_load %arg7[%get3A_186] {strides = array<i32>} : memref<2048xi32, #tpu.memory_space<vmem>>, vector<16xi32>,
      %gather3A_188 = tpu.vector_load_idx %arg5[%get3A_187] : memref<4112xi32, #tpu.memory_space<vmem>>[vector<16xi32>], vector<16xi32>,
      %swap3A_189 = arith.index_cast %add3A_183 : i32 to index
      %swap3A_190 = tpu.vector_load %arg8[%swap3A_189] {strides = array<i32>} : memref<2048xi32, #tpu.memory_space<vmem>>, vector<16xi32>,
      tpu.vector_store %arg8[%swap3A_189], %gather3A_188 {strides = array<i32>} : memref<2048xi32, #tpu.memory_space<vmem>>, vector<16xi32>,
      %gather3A_191 = tpu.vector_load_idx %arg6[%get3A_187] : memref<4112xi32, #tpu.memory_space<vmem>>[vector<16xi32>], vector<16xi32>,
      %swap3A_192 = arith.index_cast %add3A_183 : i32 to index
      %swap3A_193 = tpu.vector_load %arg9[%swap3A_192] {strides = array<i32>} : memref<2048xi32, #tpu.memory_space<vmem>>, vector<16xi32>,
      tpu.vector_store %arg9[%swap3A_192], %gather3A_191 {strides = array<i32>} : memref<2048xi32, #tpu.memory_space<vmem>>, vector<16xi32>,
      %add3A_194 = arith.constant 16 : i32
      %add3A_195 = arith.addi %add3A_183, %add3A_194 : i32
      %scan3A_196 = arith.constant 5 : i32
      %scan3A_197 = arith.addi %scan3A_138, %scan3A_196 : i32
      %get3A_198 = arith.index_cast %add3A_195 : i32 to index
      %get3A_199 = tpu.vector_load %arg7[%get3A_198] {strides = array<i32>} : memref<2048xi32, #tpu.memory_space<vmem>>, vector<16xi32>,
      %gather3A_200 = tpu.vector_load_idx %arg5[%get3A_199] : memref<4112xi32, #tpu.memory_space<vmem>>[vector<16xi32>], vector<16xi32>,
      %swap3A_201 = arith.index_cast %add3A_195 : i32 to index
      %swap3A_202 = tpu.vector_load %arg8[%swap3A_201] {strides = array<i32>} : memref<2048xi32, #tpu.memory_space<vmem>>, vector<16xi32>,
      tpu.vector_store %arg8[%swap3A_201], %gather3A_200 {strides = array<i32>} : memref<2048xi32, #tpu.memory_space<vmem>>, vector<16xi32>,
      %gather3A_203 = tpu.vector_load_idx %arg6[%get3A_199] : memref<4112xi32, #tpu.memory_space<vmem>>[vector<16xi32>], vector<16xi32>,
      %swap3A_204 = arith.index_cast %add3A_195 : i32 to index
      %swap3A_205 = tpu.vector_load %arg9[%swap3A_204] {strides = array<i32>} : memref<2048xi32, #tpu.memory_space<vmem>>, vector<16xi32>,
      tpu.vector_store %arg9[%swap3A_204], %gather3A_203 {strides = array<i32>} : memref<2048xi32, #tpu.memory_space<vmem>>, vector<16xi32>,
      %add3A_206 = arith.constant 16 : i32
      %add3A_207 = arith.addi %add3A_195, %add3A_206 : i32
      %scan3A_208 = arith.constant 6 : i32
      %scan3A_209 = arith.addi %scan3A_138, %scan3A_208 : i32
      %get3A_210 = arith.index_cast %add3A_207 : i32 to index
      %get3A_211 = tpu.vector_load %arg7[%get3A_210] {strides = array<i32>} : memref<2048xi32, #tpu.memory_space<vmem>>, vector<16xi32>,
      %gather3A_212 = tpu.vector_load_idx %arg5[%get3A_211] : memref<4112xi32, #tpu.memory_space<vmem>>[vector<16xi32>], vector<16xi32>,
      %swap3A_213 = arith.index_cast %add3A_207 : i32 to index
      %swap3A_214 = tpu.vector_load %arg8[%swap3A_213] {strides = array<i32>} : memref<2048xi32, #tpu.memory_space<vmem>>, vector<16xi32>,
      tpu.vector_store %arg8[%swap3A_213], %gather3A_212 {strides = array<i32>} : memref<2048xi32, #tpu.memory_space<vmem>>, vector<16xi32>,
      %gather3A_215 = tpu.vector_load_idx %arg6[%get3A_211] : memref<4112xi32, #tpu.memory_space<vmem>>[vector<16xi32>], vector<16xi32>,
      %swap3A_216 = arith.index_cast %add3A_207 : i32 to index
      %swap3A_217 = tpu.vector_load %arg9[%swap3A_216] {strides = array<i32>} : memref<2048xi32, #tpu.memory_space<vmem>>, vector<16xi32>,
      tpu.vector_store %arg9[%swap3A_216], %gather3A_215 {strides = array<i32>} : memref<2048xi32, #tpu.memory_space<vmem>>, vector<16xi32>,
      %add3A_218 = arith.constant 16 : i32
      %add3A_219 = arith.addi %add3A_207, %add3A_218 : i32
      %scan3A_220 = arith.constant 7 : i32
      %scan3A_221 = arith.addi %scan3A_138, %scan3A_220 : i32
      %get3A_222 = arith.index_cast %add3A_219 : i32 to index
      %get3A_223 = tpu.vector_load %arg7[%get3A_222] {strides = array<i32>} : memref<2048xi32, #tpu.memory_space<vmem>>, vector<16xi32>,
      %gather3A_224 = tpu.vector_load_idx %arg5[%get3A_223] : memref<4112xi32, #tpu.memory_space<vmem>>[vector<16xi32>], vector<16xi32>,
      %swap3A_225 = arith.index_cast %add3A_219 : i32 to index
      %swap3A_226 = tpu.vector_load %arg8[%swap3A_225] {strides = array<i32>} : memref<2048xi32, #tpu.memory_space<vmem>>, vector<16xi32>,
      tpu.vector_store %arg8[%swap3A_225], %gather3A_224 {strides = array<i32>} : memref<2048xi32, #tpu.memory_space<vmem>>, vector<16xi32>,
      %gather3A_227 = tpu.vector_load_idx %arg6[%get3A_223] : memref<4112xi32, #tpu.memory_space<vmem>>[vector<16xi32>], vector<16xi32>,
      %swap3A_228 = arith.index_cast %add3A_219 : i32 to index
      %swap3A_229 = tpu.vector_load %arg9[%swap3A_228] {strides = array<i32>} : memref<2048xi32, #tpu.memory_space<vmem>>, vector<16xi32>,
      tpu.vector_store %arg9[%swap3A_228], %gather3A_227 {strides = array<i32>} : memref<2048xi32, #tpu.memory_space<vmem>>, vector<16xi32>,
      %add3A_230 = arith.constant 16 : i32
      %add3A_231 = arith.addi %add3A_219, %add3A_230 : i32
      scf.yield %add3A_231 : i32
    }
    %scan3A_76 = arith.constant 64 : i32
    %add3A_77 = arith.constant 65536 : i32
    %add3A_78 = arith.addi %add3A_24, %add3A_77 : i32
    %dma_start3A_79 = arith.constant 0 : i32
    %dma_start3A_80 = tpu.memref_slice %arg8[%dma_start3A_79] : memref<2048xi32, #tpu.memory_space<vmem>> -> memref<1024xi32, #tpu.memory_space<vmem>>
    %dma_start3A_81 = tpu.memref_slice %arg4[%add3A_24] : memref<131072xi32, #tpu.memory_space<hbm>> -> memref<1024xi32, #tpu.memory_space<hbm>>
    %dma_start3A_82 = tpu.memref_slice %arg4[%add3A_24] : memref<131072xi32, #tpu.memory_space<hbm>> -> memref<1024xi32, #tpu.memory_space<hbm>>
    %dma_start3A_83 = arith.constant 0 : i32
    %dma_start3A_84 = tpu.memref_slice %arg8[%dma_start3A_83] : memref<2048xi32, #tpu.memory_space<vmem>> -> memref<1024xi32, #tpu.memory_space<vmem>>
    tpu.enqueue_dma source(%dma_start3A_84 : memref<1024xi32, #tpu.memory_space<vmem>>) target(%dma_start3A_82 : memref<1024xi32, #tpu.memory_space<hbm>>) target_semaphore(%arg10 : memref<!tpu.dma_semaphore, #tpu.memory_space<semaphore_mem>>)
    %dma_start3A_85 = arith.constant 0 : i32
    %dma_start3A_86 = tpu.memref_slice %arg9[%dma_start3A_85] : memref<2048xi32, #tpu.memory_space<vmem>> -> memref<1024xi32, #tpu.memory_space<vmem>>
    %dma_start3A_87 = tpu.memref_slice %arg4[%add3A_78] : memref<131072xi32, #tpu.memory_space<hbm>> -> memref<1024xi32, #tpu.memory_space<hbm>>
    %dma_start3A_88 = tpu.memref_slice %arg4[%add3A_78] : memref<131072xi32, #tpu.memory_space<hbm>> -> memref<1024xi32, #tpu.memory_space<hbm>>
    %dma_start3A_89 = arith.constant 0 : i32
    %dma_start3A_90 = tpu.memref_slice %arg9[%dma_start3A_89] : memref<2048xi32, #tpu.memory_space<vmem>> -> memref<1024xi32, #tpu.memory_space<vmem>>
    tpu.enqueue_dma source(%dma_start3A_90 : memref<1024xi32, #tpu.memory_space<vmem>>) target(%dma_start3A_88 : memref<1024xi32, #tpu.memory_space<hbm>>) target_semaphore(%arg11 : memref<!tpu.dma_semaphore, #tpu.memory_space<semaphore_mem>>)
    %scan3A_91 = arith.constant 1024 : i32
    %scan3A_92 = arith.constant 0 : i32
    %scan3A_93 = arith.constant 64 : i32
    %scan3A_94 = arith.addi %scan3A_92, %scan3A_93 : i32
    %scan3A_95 = arith.constant 8 : i32
    %scan3A_96 = scf.for %scan3A_138 = %scan3A_92 to %scan3A_94 step %scan3A_95 iter_args(%scan3A_139 = %scan3A_91) -> (i32)  : i32 {
      %get3A = arith.index_cast %scan3A_139 : i32 to index
      %get3A_140 = tpu.vector_load %arg7[%get3A] {strides = array<i32>} : memref<2048xi32, #tpu.memory_space<vmem>>, vector<16xi32>,
      %gather3A = tpu.vector_load_idx %arg5[%get3A_140] : memref<4112xi32, #tpu.memory_space<vmem>>[vector<16xi32>], vector<16xi32>,
      %swap3A_141 = arith.index_cast %scan3A_139 : i32 to index
      %swap3A_142 = tpu.vector_load %arg8[%swap3A_141] {strides = array<i32>} : memref<2048xi32, #tpu.memory_space<vmem>>, vector<16xi32>,
      tpu.vector_store %arg8[%swap3A_141], %gather3A {strides = array<i32>} : memref<2048xi32, #tpu.memory_space<vmem>>, vector<16xi32>,
      %gather3A_143 = tpu.vector_load_idx %arg6[%get3A_140] : memref<4112xi32, #tpu.memory_space<vmem>>[vector<16xi32>], vector<16xi32>,
      %swap3A_144 = arith.index_cast %scan3A_139 : i32 to index
      %swap3A_145 = tpu.vector_load %arg9[%swap3A_144] {strides = array<i32>} : memref<2048xi32, #tpu.memory_space<vmem>>, vector<16xi32>,
      tpu.vector_store %arg9[%swap3A_144], %gather3A_143 {strides = array<i32>} : memref<2048xi32, #tpu.memory_space<vmem>>, vector<16xi32>,
      %add3A_146 = arith.constant 16 : i32
      %add3A_147 = arith.addi %scan3A_139, %add3A_146 : i32
      %scan3A_148 = arith.constant 1 : i32
      %scan3A_149 = arith.addi %scan3A_138, %scan3A_148 : i32
      %get3A_150 = arith.index_cast %add3A_147 : i32 to index
      %get3A_151 = tpu.vector_load %arg7[%get3A_150] {strides = array<i32>} : memref<2048xi32, #tpu.memory_space<vmem>>, vector<16xi32>,
      %gather3A_152 = tpu.vector_load_idx %arg5[%get3A_151] : memref<4112xi32, #tpu.memory_space<vmem>>[vector<16xi32>], vector<16xi32>,
      %swap3A_153 = arith.index_cast %add3A_147 : i32 to index
      %swap3A_154 = tpu.vector_load %arg8[%swap3A_153] {strides = array<i32>} : memref<2048xi32, #tpu.memory_space<vmem>>, vector<16xi32>,
      tpu.vector_store %arg8[%swap3A_153], %gather3A_152 {strides = array<i32>} : memref<2048xi32, #tpu.memory_space<vmem>>, vector<16xi32>,
      %gather3A_155 = tpu.vector_load_idx %arg6[%get3A_151] : memref<4112xi32, #tpu.memory_space<vmem>>[vector<16xi32>], vector<16xi32>,
      %swap3A_156 = arith.index_cast %add3A_147 : i32 to index
      %swap3A_157 = tpu.vector_load %arg9[%swap3A_156] {strides = array<i32>} : memref<2048xi32, #tpu.memory_space<vmem>>, vector<16xi32>,
      tpu.vector_store %arg9[%swap3A_156], %gather3A_155 {strides = array<i32>} : memref<2048xi32, #tpu.memory_space<vmem>>, vector<16xi32>,
      %add3A_158 = arith.constant 16 : i32
      %add3A_159 = arith.addi %add3A_147, %add3A_158 : i32
      %scan3A_160 = arith.constant 2 : i32
      %scan3A_161 = arith.addi %scan3A_138, %scan3A_160 : i32
      %get3A_162 = arith.index_cast %add3A_159 : i32 to index
      %get3A_163 = tpu.vector_load %arg7[%get3A_162] {strides = array<i32>} : memref<2048xi32, #tpu.memory_space<vmem>>, vector<16xi32>,
      %gather3A_164 = tpu.vector_load_idx %arg5[%get3A_163] : memref<4112xi32, #tpu.memory_space<vmem>>[vector<16xi32>], vector<16xi32>,
      %swap3A_165 = arith.index_cast %add3A_159 : i32 to index
      %swap3A_166 = tpu.vector_load %arg8[%swap3A_165] {strides = array<i32>} : memref<2048xi32, #tpu.memory_space<vmem>>, vector<16xi32>,
      tpu.vector_store %arg8[%swap3A_165], %gather3A_164 {strides = array<i32>} : memref<2048xi32, #tpu.memory_space<vmem>>, vector<16xi32>,
      %gather3A_167 = tpu.vector_load_idx %arg6[%get3A_163] : memref<4112xi32, #tpu.memory_space<vmem>>[vector<16xi32>], vector<16xi32>,
      %swap3A_168 = arith.index_cast %add3A_159 : i32 to index
      %swap3A_169 = tpu.vector_load %arg9[%swap3A_168] {strides = array<i32>} : memref<2048xi32, #tpu.memory_space<vmem>>, vector<16xi32>,
      tpu.vector_store %arg9[%swap3A_168], %gather3A_167 {strides = array<i32>} : memref<2048xi32, #tpu.memory_space<vmem>>, vector<16xi32>,
      %add3A_170 = arith.constant 16 : i32
      %add3A_171 = arith.addi %add3A_159, %add3A_170 : i32
      %scan3A_172 = arith.constant 3 : i32
      %scan3A_173 = arith.addi %scan3A_138, %scan3A_172 : i32
      %get3A_174 = arith.index_cast %add3A_171 : i32 to index
      %get3A_175 = tpu.vector_load %arg7[%get3A_174] {strides = array<i32>} : memref<2048xi32, #tpu.memory_space<vmem>>, vector<16xi32>,
      %gather3A_176 = tpu.vector_load_idx %arg5[%get3A_175] : memref<4112xi32, #tpu.memory_space<vmem>>[vector<16xi32>], vector<16xi32>,
      %swap3A_177 = arith.index_cast %add3A_171 : i32 to index
      %swap3A_178 = tpu.vector_load %arg8[%swap3A_177] {strides = array<i32>} : memref<2048xi32, #tpu.memory_space<vmem>>, vector<16xi32>,
      tpu.vector_store %arg8[%swap3A_177], %gather3A_176 {strides = array<i32>} : memref<2048xi32, #tpu.memory_space<vmem>>, vector<16xi32>,
      %gather3A_179 = tpu.vector_load_idx %arg6[%get3A_175] : memref<4112xi32, #tpu.memory_space<vmem>>[vector<16xi32>], vector<16xi32>,
      %swap3A_180 = arith.index_cast %add3A_171 : i32 to index
      %swap3A_181 = tpu.vector_load %arg9[%swap3A_180] {strides = array<i32>} : memref<2048xi32, #tpu.memory_space<vmem>>, vector<16xi32>,
      tpu.vector_store %arg9[%swap3A_180], %gather3A_179 {strides = array<i32>} : memref<2048xi32, #tpu.memory_space<vmem>>, vector<16xi32>,
      %add3A_182 = arith.constant 16 : i32
      %add3A_183 = arith.addi %add3A_171, %add3A_182 : i32
      %scan3A_184 = arith.constant 4 : i32
      %scan3A_185 = arith.addi %scan3A_138, %scan3A_184 : i32
      %get3A_186 = arith.index_cast %add3A_183 : i32 to index
      %get3A_187 = tpu.vector_load %arg7[%get3A_186] {strides = array<i32>} : memref<2048xi32, #tpu.memory_space<vmem>>, vector<16xi32>,
      %gather3A_188 = tpu.vector_load_idx %arg5[%get3A_187] : memref<4112xi32, #tpu.memory_space<vmem>>[vector<16xi32>], vector<16xi32>,
      %swap3A_189 = arith.index_cast %add3A_183 : i32 to index
      %swap3A_190 = tpu.vector_load %arg8[%swap3A_189] {strides = array<i32>} : memref<2048xi32, #tpu.memory_space<vmem>>, vector<16xi32>,
      tpu.vector_store %arg8[%swap3A_189], %gather3A_188 {strides = array<i32>} : memref<2048xi32, #tpu.memory_space<vmem>>, vector<16xi32>,
      %gather3A_191 = tpu.vector_load_idx %arg6[%get3A_187] : memref<4112xi32, #tpu.memory_space<vmem>>[vector<16xi32>], vector<16xi32>,
      %swap3A_192 = arith.index_cast %add3A_183 : i32 to index
      %swap3A_193 = tpu.vector_load %arg9[%swap3A_192] {strides = array<i32>} : memref<2048xi32, #tpu.memory_space<vmem>>, vector<16xi32>,
      tpu.vector_store %arg9[%swap3A_192], %gather3A_191 {strides = array<i32>} : memref<2048xi32, #tpu.memory_space<vmem>>, vector<16xi32>,
      %add3A_194 = arith.constant 16 : i32
      %add3A_195 = arith.addi %add3A_183, %add3A_194 : i32
      %scan3A_196 = arith.constant 5 : i32
      %scan3A_197 = arith.addi %scan3A_138, %scan3A_196 : i32
      %get3A_198 = arith.index_cast %add3A_195 : i32 to index
      %get3A_199 = tpu.vector_load %arg7[%get3A_198] {strides = array<i32>} : memref<2048xi32, #tpu.memory_space<vmem>>, vector<16xi32>,
      %gather3A_200 = tpu.vector_load_idx %arg5[%get3A_199] : memref<4112xi32, #tpu.memory_space<vmem>>[vector<16xi32>], vector<16xi32>,
      %swap3A_201 = arith.index_cast %add3A_195 : i32 to index
      %swap3A_202 = tpu.vector_load %arg8[%swap3A_201] {strides = array<i32>} : memref<2048xi32, #tpu.memory_space<vmem>>, vector<16xi32>,
      tpu.vector_store %arg8[%swap3A_201], %gather3A_200 {strides = array<i32>} : memref<2048xi32, #tpu.memory_space<vmem>>, vector<16xi32>,
      %gather3A_203 = tpu.vector_load_idx %arg6[%get3A_199] : memref<4112xi32, #tpu.memory_space<vmem>>[vector<16xi32>], vector<16xi32>,
      %swap3A_204 = arith.index_cast %add3A_195 : i32 to index
      %swap3A_205 = tpu.vector_load %arg9[%swap3A_204] {strides = array<i32>} : memref<2048xi32, #tpu.memory_space<vmem>>, vector<16xi32>,
      tpu.vector_store %arg9[%swap3A_204], %gather3A_203 {strides = array<i32>} : memref<2048xi32, #tpu.memory_space<vmem>>, vector<16xi32>,
      %add3A_206 = arith.constant 16 : i32
      %add3A_207 = arith.addi %add3A_195, %add3A_206 : i32
      %scan3A_208 = arith.constant 6 : i32
      %scan3A_209 = arith.addi %scan3A_138, %scan3A_208 : i32
      %get3A_210 = arith.index_cast %add3A_207 : i32 to index
      %get3A_211 = tpu.vector_load %arg7[%get3A_210] {strides = array<i32>} : memref<2048xi32, #tpu.memory_space<vmem>>, vector<16xi32>,
      %gather3A_212 = tpu.vector_load_idx %arg5[%get3A_211] : memref<4112xi32, #tpu.memory_space<vmem>>[vector<16xi32>], vector<16xi32>,
      %swap3A_213 = arith.index_cast %add3A_207 : i32 to index
      %swap3A_214 = tpu.vector_load %arg8[%swap3A_213] {strides = array<i32>} : memref<2048xi32, #tpu.memory_space<vmem>>, vector<16xi32>,
      tpu.vector_store %arg8[%swap3A_213], %gather3A_212 {strides = array<i32>} : memref<2048xi32, #tpu.memory_space<vmem>>, vector<16xi32>,
      %gather3A_215 = tpu.vector_load_idx %arg6[%get3A_211] : memref<4112xi32, #tpu.memory_space<vmem>>[vector<16xi32>], vector<16xi32>,
      %swap3A_216 = arith.index_cast %add3A_207 : i32 to index
      %swap3A_217 = tpu.vector_load %arg9[%swap3A_216] {strides = array<i32>} : memref<2048xi32, #tpu.memory_space<vmem>>, vector<16xi32>,
      tpu.vector_store %arg9[%swap3A_216], %gather3A_215 {strides = array<i32>} : memref<2048xi32, #tpu.memory_space<vmem>>, vector<16xi32>,
      %add3A_218 = arith.constant 16 : i32
      %add3A_219 = arith.addi %add3A_207, %add3A_218 : i32
      %scan3A_220 = arith.constant 7 : i32
      %scan3A_221 = arith.addi %scan3A_138, %scan3A_220 : i32
      %get3A_222 = arith.index_cast %add3A_219 : i32 to index
      %get3A_223 = tpu.vector_load %arg7[%get3A_222] {strides = array<i32>} : memref<2048xi32, #tpu.memory_space<vmem>>, vector<16xi32>,
      %gather3A_224 = tpu.vector_load_idx %arg5[%get3A_223] : memref<4112xi32, #tpu.memory_space<vmem>>[vector<16xi32>], vector<16xi32>,
      %swap3A_225 = arith.index_cast %add3A_219 : i32 to index
      %swap3A_226 = tpu.vector_load %arg8[%swap3A_225] {strides = array<i32>} : memref<2048xi32, #tpu.memory_space<vmem>>, vector<16xi32>,
      tpu.vector_store %arg8[%swap3A_225], %gather3A_224 {strides = array<i32>} : memref<2048xi32, #tpu.memory_space<vmem>>, vector<16xi32>,
      %gather3A_227 = tpu.vector_load_idx %arg6[%get3A_223] : memref<4112xi32, #tpu.memory_space<vmem>>[vector<16xi32>], vector<16xi32>,
      %swap3A_228 = arith.index_cast %add3A_219 : i32 to index
      %swap3A_229 = tpu.vector_load %arg9[%swap3A_228] {strides = array<i32>} : memref<2048xi32, #tpu.memory_space<vmem>>, vector<16xi32>,
      tpu.vector_store %arg9[%swap3A_228], %gather3A_227 {strides = array<i32>} : memref<2048xi32, #tpu.memory_space<vmem>>, vector<16xi32>,
      %add3A_230 = arith.constant 16 : i32
      %add3A_231 = arith.addi %add3A_219, %add3A_230 : i32
      scf.yield %add3A_231 : i32
    }
    %scan3A_97 = arith.constant 64 : i32
    %add3A_98 = arith.constant 1024 : i32
    %add3A_99 = arith.addi %add3A_24, %add3A_98 : i32
    %add3A_100 = arith.constant 66560 : i32
    %add3A_101 = arith.addi %add3A_24, %add3A_100 : i32
    %dma_start3A_102 = arith.constant 1024 : i32
    %dma_start3A_103 = tpu.memref_slice %arg8[%dma_start3A_102] : memref<2048xi32, #tpu.memory_space<vmem>> -> memref<1024xi32, #tpu.memory_space<vmem>>
    %dma_start3A_104 = tpu.memref_slice %arg4[%add3A_99] : memref<131072xi32, #tpu.memory_space<hbm>> -> memref<1024xi32, #tpu.memory_space<hbm>>
    %dma_start3A_105 = tpu.memref_slice %arg4[%add3A_99] : memref<131072xi32, #tpu.memory_space<hbm>> -> memref<1024xi32, #tpu.memory_space<hbm>>
    %dma_start3A_106 = arith.constant 1024 : i32
    %dma_start3A_107 = tpu.memref_slice %arg8[%dma_start3A_106] : memref<2048xi32, #tpu.memory_space<vmem>> -> memref<1024xi32, #tpu.memory_space<vmem>>
    tpu.enqueue_dma source(%dma_start3A_107 : memref<1024xi32, #tpu.memory_space<vmem>>) target(%dma_start3A_105 : memref<1024xi32, #tpu.memory_space<hbm>>) target_semaphore(%arg12 : memref<!tpu.dma_semaphore, #tpu.memory_space<semaphore_mem>>)
    %dma_start3A_108 = arith.constant 1024 : i32
    %dma_start3A_109 = tpu.memref_slice %arg9[%dma_start3A_108] : memref<2048xi32, #tpu.memory_space<vmem>> -> memref<1024xi32, #tpu.memory_space<vmem>>
    %dma_start3A_110 = tpu.memref_slice %arg4[%add3A_101] : memref<131072xi32, #tpu.memory_space<hbm>> -> memref<1024xi32, #tpu.memory_space<hbm>>
    %dma_start3A_111 = tpu.memref_slice %arg4[%add3A_101] : memref<131072xi32, #tpu.memory_space<hbm>> -> memref<1024xi32, #tpu.memory_space<hbm>>
    %dma_start3A_112 = arith.constant 1024 : i32
    %dma_start3A_113 = tpu.memref_slice %arg9[%dma_start3A_112] : memref<2048xi32, #tpu.memory_space<vmem>> -> memref<1024xi32, #tpu.memory_space<vmem>>
    tpu.enqueue_dma source(%dma_start3A_113 : memref<1024xi32, #tpu.memory_space<vmem>>) target(%dma_start3A_111 : memref<1024xi32, #tpu.memory_space<hbm>>) target_semaphore(%arg13 : memref<!tpu.dma_semaphore, #tpu.memory_space<semaphore_mem>>)
    %dma_wait3A_114 = arith.constant 0 : i32
    %dma_wait3A_115 = tpu.memref_slice %arg8[%dma_wait3A_114] : memref<2048xi32, #tpu.memory_space<vmem>> -> memref<1024xi32, #tpu.memory_space<vmem>>
    %dma_wait3A_116 = tpu.memref_slice %arg4[%add3A_24] : memref<131072xi32, #tpu.memory_space<hbm>> -> memref<1024xi32, #tpu.memory_space<hbm>>
    %dma_wait3A_117 = tpu.memref_slice %arg4[%add3A_24] : memref<131072xi32, #tpu.memory_space<hbm>> -> memref<1024xi32, #tpu.memory_space<hbm>>
    %dma_wait3A_118 = arith.constant 0 : i32
    %dma_wait3A_119 = tpu.memref_slice %arg8[%dma_wait3A_118] : memref<2048xi32, #tpu.memory_space<vmem>> -> memref<1024xi32, #tpu.memory_space<vmem>>
    tpu.wait_dma2 semaphore(%arg10 : memref<!tpu.dma_semaphore, #tpu.memory_space<semaphore_mem>>) src(%dma_wait3A_119 : memref<1024xi32, #tpu.memory_space<vmem>>) dst(%dma_wait3A_117 : memref<1024xi32, #tpu.memory_space<hbm>>)
    %dma_wait3A_120 = arith.constant 0 : i32
    %dma_wait3A_121 = tpu.memref_slice %arg9[%dma_wait3A_120] : memref<2048xi32, #tpu.memory_space<vmem>> -> memref<1024xi32, #tpu.memory_space<vmem>>
    %dma_wait3A_122 = tpu.memref_slice %arg4[%add3A_78] : memref<131072xi32, #tpu.memory_space<hbm>> -> memref<1024xi32, #tpu.memory_space<hbm>>
    %dma_wait3A_123 = tpu.memref_slice %arg4[%add3A_78] : memref<131072xi32, #tpu.memory_space<hbm>> -> memref<1024xi32, #tpu.memory_space<hbm>>
    %dma_wait3A_124 = arith.constant 0 : i32
    %dma_wait3A_125 = tpu.memref_slice %arg9[%dma_wait3A_124] : memref<2048xi32, #tpu.memory_space<vmem>> -> memref<1024xi32, #tpu.memory_space<vmem>>
    tpu.wait_dma2 semaphore(%arg11 : memref<!tpu.dma_semaphore, #tpu.memory_space<semaphore_mem>>) src(%dma_wait3A_125 : memref<1024xi32, #tpu.memory_space<vmem>>) dst(%dma_wait3A_123 : memref<1024xi32, #tpu.memory_space<hbm>>)
    %dma_wait3A_126 = arith.constant 1024 : i32
    %dma_wait3A_127 = tpu.memref_slice %arg8[%dma_wait3A_126] : memref<2048xi32, #tpu.memory_space<vmem>> -> memref<1024xi32, #tpu.memory_space<vmem>>
    %dma_wait3A_128 = tpu.memref_slice %arg4[%add3A_99] : memref<131072xi32, #tpu.memory_space<hbm>> -> memref<1024xi32, #tpu.memory_space<hbm>>
    %dma_wait3A_129 = tpu.memref_slice %arg4[%add3A_99] : memref<131072xi32, #tpu.memory_space<hbm>> -> memref<1024xi32, #tpu.memory_space<hbm>>
    %dma_wait3A_130 = arith.constant 1024 : i32
    %dma_wait3A_131 = tpu.memref_slice %arg8[%dma_wait3A_130] : memref<2048xi32, #tpu.memory_space<vmem>> -> memref<1024xi32, #tpu.memory_space<vmem>>
    tpu.wait_dma2 semaphore(%arg12 : memref<!tpu.dma_semaphore, #tpu.memory_space<semaphore_mem>>) src(%dma_wait3A_131 : memref<1024xi32, #tpu.memory_space<vmem>>) dst(%dma_wait3A_129 : memref<1024xi32, #tpu.memory_space<hbm>>)
    %dma_wait3A_132 = arith.constant 1024 : i32
    %dma_wait3A_133 = tpu.memref_slice %arg9[%dma_wait3A_132] : memref<2048xi32, #tpu.memory_space<vmem>> -> memref<1024xi32, #tpu.memory_space<vmem>>
    %dma_wait3A_134 = tpu.memref_slice %arg4[%add3A_101] : memref<131072xi32, #tpu.memory_space<hbm>> -> memref<1024xi32, #tpu.memory_space<hbm>>
    %dma_wait3A_135 = tpu.memref_slice %arg4[%add3A_101] : memref<131072xi32, #tpu.memory_space<hbm>> -> memref<1024xi32, #tpu.memory_space<hbm>>
    %dma_wait3A_136 = arith.constant 1024 : i32
    %dma_wait3A_137 = tpu.memref_slice %arg9[%dma_wait3A_136] : memref<2048xi32, #tpu.memory_space<vmem>> -> memref<1024xi32, #tpu.memory_space<vmem>>
    tpu.wait_dma2 semaphore(%arg13 : memref<!tpu.dma_semaphore, #tpu.memory_space<semaphore_mem>>) src(%dma_wait3A_137 : memref<1024xi32, #tpu.memory_space<vmem>>) dst(%dma_wait3A_135 : memref<1024xi32, #tpu.memory_space<hbm>>)
    return
  }
}

</mosaic_0001>

<sc_bundles>
// kernel: kernel.3.cloned.1.call-start
scs
__scs_entry_jumppad:
0x0: {  	(pc) =	sbr.rel $0x88, $3  }
0x1: {  	(tag) =	ssettag $0x0;
	lr =	simm.s32 $0x1  }
0x2: {  	[smem:$0x3FA0] =	sst lr;
	_ =	strace $0xD0000000  }
0x3: {  	_ = 	snop  }
0x4: {  	_ = 	snop  }
0x5: {  	_ = 	snop  }
0x6: {  	_ = 	snop  }
0x7: {  	_ = 	snop  }
__scs_overlays_trampoline_lowered:
0x8: {  	[smem:$0x3FAF] =	sst s0  }
0x9: {  	[smem:$0x3FB0] =	sst s1  }
0xa: {  	[smem:$0x3FB1] =	sst s2  }
0xb: {  	[smem:$0x3FB2] =	sst s3  }
0xc: {  	[smem:$0x3FB3] =	sst s4  }
0xd: {  	[smem:$0x3FB4] =	sst s5  }
0xe: {  	[smem:$0x3FB5] =	sst s6  }
0xf: {  	[smem:$0x3FB6] =	sst s7  }
0x10: {  	[smem:$0x3FB7] =	sst s8  }
0x11: {  	[smem:$0x3FB8] =	sst s9;
	s0 =	simm.s32 @!p0 $0x0  }
0x12: {  	s1 =	sld [smem:$0x3F9E];
	s0 =	simm.s32 @p0 $0x1  }
0x13: {  	[smem:$0x3FB9] =	sst s0;
	s0 =	simm.s32 @!p1 $0x0  }
0x14: {  	s2 =	sld [smem:$0x3F9D];
	s0 =	simm.s32 @p1 $0x1  }
0x15: {  	[smem:$0x3FBA] =	sst s0;
	s0 =	simm.s32 @!p2 $0x0  }
0x16: {  	s3 =	sld [smem:$0x3FDB];
	s0 =	simm.s32 @p2 $0x1  }
0x17: {  	s4 =	simm.s32 $0x1BF5;
	[smem:$0x3FBC] =	sst s0  }
0x18: {  	s0 =	sld [smem:$0x3F9F];
	_ =	swait.ge [sflag:s4], $0x0  }
0x19: {  	s7 =	sld [smem:$0x3FA0]  }
0x1a: {  	s8 =	sadd.s32 $0xFFFFE003, lr  }
0x1b: {  	s9 =	sadd.s32 $0xFFFFFEF7, lr;
	s5 =	simm.s32 $0xFFFFFFFF;
	p2 =	slt.u32 s8, $0xFFFFF086  }
0x1c: {  	p1 =	slt.u32 s9, $0xF7A;
	s5 =	simm.s32 @!p2 $0x0  }
0x1d: {  	s5 =	simm.s32 @p1 $0x1;
	p0 =	seq.s32 s7, s2  }
0x1e: {  	s7 =	smul.u32 @!p0 $0xF7A, s2;
	p2 =	seq.s32 @!p0 s5, $0x0  }
0x1f: {  	s9 =	smul.u32 $0xF7A, s1;
	s8 =	simm.s32 @!p0 $0x1BF5;
	p2 =	por !p2, p0  }
0x20: {  	[sflag:s8] =	ssyncset.s32 @!p0 $0xFFFFF086;
	s6 =	sadd.s32 @!p0 s3, s7;
	s7 =	simm.s32 @!p0 $0x108  }
0x21: {  	s3 =	sadd.s32 s3, s9;
	s6 =	sadd.s32 @!p0 $0x88, s6;
	s7 =	simm.s32 @p2 $0x1082  }
0x22: {  	[simem:s7], [sflag:s8] =	dma.local @!p0 [hbm:s6], $0xF7A  }
0x23: {  	s9 =	sor.u32 $0xD0000000, s2;
	s6 =	simm.s32 $0x108;
	_ =	swait.ge @!p0 [sflag:s8], $0x0  }
0x24: {  	s3 =	sadd.s32 $0x88, s3;
	s6 =	simm.s32 @!p1 $0x1082;
	[sflag:s4] =	ssyncset.s32 $0xFFFFF086  }
0x25: {  	[simem:s6], [sflag:s4] =	dma.local [hbm:s3], $0xF7A  }
0x26: {  	[smem:$0x3FA0] =	sst s1;
	(tag) =	ssettag s2;
	_ =	strace s9  }
0x27: {  	s1 =	sld [smem:$0x3FB0]  }
0x28: {  	s2 =	sld [smem:$0x3FB1]  }
0x29: {  	s4 =	sld [smem:$0x3FB3]  }
0x2a: {  	p0 =	seq.s32 s5, $0x0;
	s5 =	sld [smem:$0x3FB4]  }
0x2b: {  	s6 =	sld [smem:$0x3FB5]  }
0x2c: {  	s7 =	sld [smem:$0x3FB6]  }
0x2d: {  	s3 =	simm.s32 $0x108;
	s8 =	sld [smem:$0x3FB7]  }
0x2e: {  	s3 =	simm.s32 @!p0 $0x1082;
	s9 =	sld [smem:$0x3FB8]  }
0x2f: {  	lr =	sadd.s32 s0, s3;
	s0 =	sld [smem:$0x3FAF]  }
0x30: {  	s3 =	sld [smem:$0x3FB2]  }
0x31: {  	[smem:$0x3FBB] =	sst s10  }
0x32: {  	s10 =	sld [smem:$0x3FB9];
	_ =	sdelay $0x3  }
0x33: {  	p0 =	seq.s32 s10, $0x1;
	s10 =	sld [smem:$0x3FBB];
	_ =	sdelay $0x3  }
0x34: {  	[smem:$0x3FBB] =	sst s10  }
0x35: {  	s10 =	sld [smem:$0x3FBA];
	_ =	sdelay $0x3  }
0x36: {  	p1 =	seq.s32 s10, $0x1;
	s10 =	sld [smem:$0x3FBB];
	_ =	sdelay $0x3  }
0x37: {  	[smem:$0x3FBB] =	sst s10  }
0x38: {  	s10 =	sld [smem:$0x3FBC]  }
0x39: {  	_ = 	snop;
	(pc) =	sbr.ind lr, $3  }
0x3a: {  	_ = 	snop  }
0x3b: {  	_ = 	snop  }
0x3c: {  	p2 =	seq.s32 s10, $0x1;
	s10 =	sld [smem:$0x3FBB]  }
0x3d: {  	_ =	shalt  }
0x3e: {  	_ =	shalt  }
0x3f: {  	_ =	shalt  }
0x40: {  	_ =	shalt  }
0x41: {  	_ =	shalt  }
0x42: {  	_ =	shalt  }
0x43: {  	_ =	shalt  }
0x44: {  	_ =	shalt  }
0x45: {  	_ =	shalt  }
0x46: {  	_ =	shalt  }
0x47: {  	_ =	shalt  }
0x48: {  	_ =	shalt  }
0x49: {  	_ =	shalt  }
0x4a: {  	_ =	shalt  }
0x4b: {  	_ =	shalt  }
0x4c: {  	_ =	shalt  }
0x4d: {  	_ =	shalt  }
0x4e: {  	_ =	shalt  }
0x4f: {  	_ =	shalt  }
0x50: {  	_ =	shalt  }
0x51: {  	_ =	shalt  }
0x52: {  	_ =	shalt  }
0x53: {  	_ =	shalt  }
0x54: {  	_ =	shalt  }
0x55: {  	_ =	shalt  }
0x56: {  	_ =	shalt  }
0x57: {  	_ =	shalt  }
0x58: {  	_ =	shalt  }
0x59: {  	_ =	shalt  }
0x5a: {  	_ =	shalt  }
0x5b: {  	_ =	shalt  }
0x5c: {  	_ =	shalt  }
0x5d: {  	_ =	shalt  }
0x5e: {  	_ =	shalt  }
0x5f: {  	_ =	shalt  }
0x60: {  	_ =	shalt  }
0x61: {  	_ =	shalt  }
0x62: {  	_ =	shalt  }
0x63: {  	_ =	shalt  }
0x64: {  	_ =	shalt  }
0x65: {  	_ =	shalt  }
0x66: {  	_ =	shalt  }
0x67: {  	_ =	shalt  }
0x68: {  	_ =	shalt  }
0x69: {  	_ =	shalt  }
0x6a: {  	_ =	shalt  }
0x6b: {  	_ =	shalt  }
0x6c: {  	_ =	shalt  }
0x6d: {  	_ =	shalt  }
0x6e: {  	_ =	shalt  }
0x6f: {  	_ =	shalt  }
0x70: {  	_ =	shalt  }
0x71: {  	_ =	shalt  }
0x72: {  	_ =	shalt  }
0x73: {  	_ =	shalt  }
0x74: {  	_ =	shalt  }
0x75: {  	_ =	shalt  }
0x76: {  	_ =	shalt  }
0x77: {  	_ =	shalt  }
0x78: {  	_ =	shalt  }
0x79: {  	_ =	shalt  }
0x7a: {  	_ =	shalt  }
0x7b: {  	_ =	shalt  }
0x7c: {  	_ =	shalt  }
0x7d: {  	_ =	shalt  }
0x7e: {  	_ =	shalt  }
0x7f: {  	_ =	shalt  }
0x80: {  	_ =	shalt  }
0x81: {  	_ =	shalt  }
0x82: {  	_ =	shalt  }
0x83: {  	_ =	shalt  }
0x84: {  	_ =	shalt  }
0x85: {  	_ =	shalt  }
0x86: {  	_ =	shalt  }
0x87: {  	_ =	shalt  }
.Lfunc_end0:
.L_simem_size_0:
called_computation_lowered:
.L_overlay_start_0:
0x88: {  	s2 =	sld [smem:$0x3FD9]  }
0x89: {  	s3 =	sld [smem:$0x3FFE];
	_ =	sdelay $0x1  }
0x8a: {  	s1 =	srdreg.scid  }
0x8b: {  	s0 =	sand.u32 $0x1, s1  }
0x8c: {  	s17 =	sshll.u32 s0, $0xA;
	s2 =	sadd.s32 s3, s2  }
0x8d: {  	s2 =	sadd.s32 s2, s17  }
0x8e: {  	[smem:$0x3FC7] =	sst s2  }
0x8f: {  	_ = 	snop  }
0x90: {  	s2 =	sld [smem:$0x3FD0];
	(tm) =	ssettm $0x1  }
0x91: {  	s18 =	sld [smem:$0x3FFB];
	_ =	sdelay $0x3  }
0x92: {  	_ =	strace s18  }
0x93: {  	s3 =	sld [smem:$0x3FFC];
	_ =	sdelay $0x3  }
0x94: {  	_ =	strace s3  }
0x95: {  	s3 =	sld [smem:$0x3FFD];
	_ =	sdelay $0x3  }
0x96: {  	_ =	strace s3  }
0x97: {  	_ =	strace $0x8FFFFFFF  }
0x98: {  	s19 =	sld [smem:$0x3FDB];
	_ =	sdelay $0x1  }
0x99: {  	s4 =	simm.s32 $_scs_section_size  }
0x9a: {  	s5 =	simm.s32 $_size__tile_overlayer_lowered;
	s6 =	simm.s32 $_tile_overlayer_lowered  }
0x9b: {  	s22 =	simm.s32 $0x1BFF;
	s21 =	sshll.u32 s6, $0x1;
	s3 =	sadd.s32 s4, s19  }
0x9c: {  	s7 =	simm.s32 $0x0;
	s20 =	sshll.u32 s5, $0x1;
	s5 =	sadd.s32 s21, s3  }
0x9d: {  	[timem:s7], [sflag:s22] =	dma.local [hbm:s5], s20  }
0x9e: {  	_ =	swait.ge [sflag:s22], s20  }
0x9f: {  	s4 =	ssub.s32 $0x0, s20;
	[sflag:s22] =	ssyncset.done $0x0  }
0xa0: {  	[sflag:s22] =	ssyncadd.s32 s4;
	_ =	sdelay $0x1  }
0xa1: {  	s23 =	simm.s32 $0x1B8B  }
0xa2: {  	_ =	swait.ge [sflag:s23], $0x1  }
0xa3: {  	[sflag:s23] =	ssyncset.done $0x0  }
0xa4: {  	s25 =	simm.s32 $0x1B8E;
	s24 =	sld [smem:$0x3FFE];
	[sflag:s23] =	ssyncadd.s32 $0xFFFFFFFF  }
0xa5: {  	s26 =	simm.s32 $execute0_lowered;
	[smem:$0x3FD2] =	sst s25  }
0xa6: {  	s5 =	sshll.u32 s26, $0x1;
	_ =	strace $0x80000046;
	[dreg:$0x1] =	wrdreg $0xFFFFFFFF  }
0xa7: {  	s28 =	simm.s32 $_size_execute0_lowered;
	s3 =	sadd.s32 s3, s5;
	[dreg:$0x0] =	wrdreg $0x0  }
0xa8: {  	s5 =	sshll.u32 s28, $0x1;
	[dreg:$0x2] =	wrdreg s3  }
0xa9: {  	[dreg:$0x3] =	wrdreg s5  }
0xaa: {  	[dreg:$0x4] =	wrdreg $0xC0  }
0xab: {  	_ =	task [dreg:s7], $0x5FFFF  }
0xac: {  	[dreg:$0x1] =	wrdreg $0xFFFFFFFF  }
0xad: {  	[dreg:$0x0] =	wrdreg $0x60  }
0xae: {  	[dreg:$0x2] =	wrdreg s24  }
0xaf: {  	[dreg:$0x3] =	wrdreg s2  }
0xb0: {  	[dreg:$0x4] =	wrdreg $0x9  }
0xb1: {  	_ =	task.clear_ibuf [dreg:s7], $0x5FFFF;
	_ =	strace $0x90000046  }
0xb2: {  	s29 =	simm.s32 $0x9;
	_ =	strace $0x80000048  }
0xb3: {  	_ =	swait.ge [sflag:s29], $0x1  }
0xb4: {  	[sflag:s29] =	ssyncadd.s32 $0xFFFFFFFF  }
0xb5: {  	_ =	strace $0x90000048  }
0xb6: {  	_ =	sfence  }
0xb7: {  	s30 =	sld [smem:$0x0];
	_ =	sdelay $0x2  }
0xb8: {  	s31 =	sshll.u32 s1, $0xD;
	s1 =	sshrl.u32 s1, $0x2  }
0xb9: {  	s3 =	sand.u32 $0x4000, s31;
	s1 =	sadd.s32 s1, s30  }
0xba: {  	s0 =	sor.u32 s3, s0;
	s1 =	sshll.u32 s1, $0x11  }
0xbb: {  	s0 =	sor.u32 s1, s0  }
0xbc: {  	s0 =	sadd.s32 $0x8F2B, s0  }
0xbd: {  	[sflag:s0] =	ssyncadd.remote.s32 $0x1  }
0xbe: {  	_ =	sfence.sel $0xFFFF  }
0xbf: {  	[dreg:$0x0] =	wrdreg $0xFFFFFFFF;
	(pc) =	sbr.abs _section_cstart, $3  }
0xc0: {  	[dreg:$0x1] =	wrdreg $0xFFFFFFFF  }
0xc1: {  	_ =	task.clear_ibuf [dreg:s7], $0x2FFFF;
	_ =	strace $0x9FFFFFFF  }
0xc2: {  	(tm) =	ssettm $0x7FFFFFFF  }
0xc3: {  	_ =	shalt  }
tec
execute0_lowered:
.L_overlay_start_1:
0x0: {  	(tag) =	ssettag $0x1  }
0x1: {  	s1 =	srdreg.scid;
	s7 =	rddreg [dreg:$0x0]  }
0x2: {  	s0 =	stileid.u32;
	s8 =	rddreg [dreg:$0x1]  }
0x3: {  	s2 =	simm.s32 $0x0;
	s5 =	simm.s32 $0x1;
	s13 =	simm.s32 $0x1080  }
0x4: {  	s14 =	simm.s32 $0x2100;
	s15 =	simm.s32 $0x1000;
	s16 =	simm.s32 $0x3  }
0x5: {  	s17 =	simm.s32 $0x4;
	s18 =	simm.s32 $0x2;
	s19 =	simm.s32 $0x2900  }
0x6: {  	s20 =	simm.s32 $0x3100;
	s21 =	simm.s32 $0x2D00;
	s22 =	simm.s32 $0x3500  }
0x7: {  	s3 =	sand.u32 $0x1, s1;
	s28 =	sshll.u32 s0, $0x1;
	s1 =	rddreg [dreg:$0x2]  }
0x8: {  	s23 =	simm.s32 $0x0;
	[smem:$0x7FF] =	sst s2;
	s4 =	sor.u32 s3, s28  }
0x9: {  	s6 =	sadd.s32 $0xA00, s7;
	p1 =	seq.s32 s3, $0x1;
	p0 =	seq.s32 s4, $0x0  }
0xa: {  	_ =	strace $0x80000047;
	s3 =	ssub.s32 $0x2, s3;
	p0 =	por !p0, !p1  }
0xb: {  	s9 =	sshll.u32 s4, $0x8;
	s30 =	sshrl.u32 s3, $0x1;
	p0 =	por !p0, !p0  }
0xc: {  	s10 =	sadd.s32 s9, s7;
	s12 =	ssub.s32 s3, s30;
	s5 =	simm.s32 @!p0 $0x0  }
0xd: {  	s3 =	simm.s32 $0x1;
	s8 =	sadd.s32 s8, s9;
	s5 =	ssub.s32 s0, s5  }
0xe: {  	s7 =	sadd.s32 $0x4A00, s7;
	s9 =	sadd.s32 $0x2000, s8;
	s29 =	sshll.u32 s5, $0xC  }
0xf: {  	s12 =	smax.u32 s12, $0x1;
	s11 =	sadd.s32 $0x10000, s29;
	s4 =	sshrl.u32 s29, $0x3  }
0x10: {  	s31 =	sshrl.u32 s11, $0x3;
	s4 =	sadd.s32 s6, s4;
	s11 =	sadd.s32 $0x2080, s8  }
0x11: {  	v0 =	vimm.s32 $0x0;
	s5 =	sadd.s32 s6, s31;
	s6 =	sadd.s32 $0x4C00, s10;
	s10 =	sadd.s32 $0x80, s8  }
.LBB2_1:
0x12: {  	[tilespmem:s2], [sflag:$0x1] =	stream.linear.gather [hbm4b:s4+s2], $0x1000, $0x38;
	[tilespmem:$0x3900] =	vst v63  }
0x13: {  	_ = 	snop  }
0x14: {  	[tilespmem:s13], [sflag:$0x2] =	stream.linear.gather [hbm4b:s5+s2], $0x1000, $0x38;
	[tilespmem:$0x3900] =	vst v63  }
0x15: {  	_ = 	snop  }
0x16: {  	[tilespmem:s14], [sflag:$0x3] =	stream.linear.gather [hbm4b:s6+s2], $0x800, $0x38;
	[tilespmem:$0x3900] =	vst v63  }
0x17: {  	_ = 	snop  }
0x18: {  	[tilespmem:s15], [sflag:$0x4] =	stream.linear.gather [hbm4b:s7+s2], $0x10, $0x38;
	[tilespmem:$0x3900] =	vst v63  }
0x19: {  	[tilespmem:$0x2080] =	vst v0  }
0x1a: {  	_ =	swait.ge [sflag:s16], $0x800  }
0x1b: {  	[sflag:s16] =	ssyncset.done $0x0  }
0x1c: {  	[sflag:s16] =	ssyncadd.s32 $0xFFFFF800  }
0x1d: {  	_ =	swait.ge [sflag:s17], $0x10  }
0x1e: {  	[sflag:s17] =	ssyncset.done $0x0  }
0x1f: {  	[sflag:s17] =	ssyncadd.s32 $0xFFFFFFF0  }
0x20: {  	_ =	swait.ge [sflag:s3], $0x1000  }
0x21: {  	[sflag:s3] =	ssyncset.done $0x0  }
0x22: {  	[sflag:s3] =	ssyncadd.s32 $0xFFFFF000  }
0x23: {  	_ =	swait.ge [sflag:s18], $0x1000  }
0x24: {  	s24 =	simm.s32 $0xFFFFFFF8;
	s25 =	simm.s32 $0x3140;
	[sflag:s18] =	ssyncset.done $0x0  }
0x25: {  	s26 =	simm.s32 $0x2940;
	s28 =	simm.s32 $0x2140;
	[sflag:s18] =	ssyncadd.s32 $0xFFFFF000  }
.LBB2_2:
0x26: {  	v1 =	vld [tilespmem:s28+$0xFFFFFFC0];
	_ =	sdelay $0x7  }
0x27: {  	v2 =	vld.idx.msk [tilespmem:v1+s2+$0x0], $0xffff;
	_ =	sdelay $0x4  }
0x28: {  	[tilespmem:s26+$0xFFFFFFC0] =	vst v2  }
0x29: {  	v1 =	vld.idx.msk [tilespmem:v1+s13+$0x0], $0xffff;
	_ =	sdelay $0x4  }
0x2a: {  	[tilespmem:s25+$0xFFFFFFC0] =	vst v1  }
0x2b: {  	v1 =	vld [tilespmem:s28+$0xFFFFFFD0];
	_ =	sdelay $0x7  }
0x2c: {  	v2 =	vld.idx.msk [tilespmem:v1+s2+$0x0], $0xffff;
	_ =	sdelay $0x4  }
0x2d: {  	[tilespmem:s26+$0xFFFFFFD0] =	vst v2  }
0x2e: {  	v1 =	vld.idx.msk [tilespmem:v1+s13+$0x0], $0xffff;
	_ =	sdelay $0x4  }
0x2f: {  	[tilespmem:s25+$0xFFFFFFD0] =	vst v1  }
0x30: {  	v1 =	vld [tilespmem:s28+$0xFFFFFFE0];
	_ =	sdelay $0x7  }
0x31: {  	v2 =	vld.idx.msk [tilespmem:v1+s2+$0x0], $0xffff;
	_ =	sdelay $0x4  }
0x32: {  	[tilespmem:s26+$0xFFFFFFE0] =	vst v2  }
0x33: {  	v1 =	vld.idx.msk [tilespmem:v1+s13+$0x0], $0xffff;
	_ =	sdelay $0x4  }
0x34: {  	[tilespmem:s25+$0xFFFFFFE0] =	vst v1  }
0x35: {  	v1 =	vld [tilespmem:s28+$0xFFFFFFF0];
	_ =	sdelay $0x7  }
0x36: {  	v2 =	vld.idx.msk [tilespmem:v1+s2+$0x0], $0xffff;
	_ =	sdelay $0x4  }
0x37: {  	[tilespmem:s26+$0xFFFFFFF0] =	vst v2  }
0x38: {  	v1 =	vld.idx.msk [tilespmem:v1+s13+$0x0], $0xffff;
	_ =	sdelay $0x4  }
0x39: {  	[tilespmem:s25+$0xFFFFFFF0] =	vst v1  }
0x3a: {  	v1 =	vld [tilespmem:s28+$0x0];
	_ =	sdelay $0x7  }
0x3b: {  	v2 =	vld.idx.msk [tilespmem:v1+s2+$0x0], $0xffff;
	_ =	sdelay $0x4  }
0x3c: {  	[tilespmem:s26+$0x0] =	vst v2  }
0x3d: {  	v1 =	vld.idx.msk [tilespmem:v1+s13+$0x0], $0xffff;
	_ =	sdelay $0x4  }
0x3e: {  	[tilespmem:s25+$0x0] =	vst v1  }
0x3f: {  	v1 =	vld [tilespmem:s28+$0x10];
	_ =	sdelay $0x7  }
0x40: {  	v2 =	vld.idx.msk [tilespmem:v1+s2+$0x0], $0xffff;
	_ =	sdelay $0x4  }
0x41: {  	[tilespmem:s26+$0x10] =	vst v2  }
0x42: {  	v1 =	vld.idx.msk [tilespmem:v1+s13+$0x0], $0xffff;
	_ =	sdelay $0x4  }
0x43: {  	[tilespmem:s25+$0x10] =	vst v1  }
0x44: {  	v1 =	vld [tilespmem:s28+$0x20];
	_ =	sdelay $0x7  }
0x45: {  	v2 =	vld.idx.msk [tilespmem:v1+s2+$0x0], $0xffff;
	_ =	sdelay $0x4  }
0x46: {  	[tilespmem:s26+$0x20] =	vst v2  }
0x47: {  	v1 =	vld.idx.msk [tilespmem:v1+s13+$0x0], $0xffff;
	_ =	sdelay $0x4  }
0x48: {  	[tilespmem:s25+$0x20] =	vst v1  }
0x49: {  	v1 =	vld [tilespmem:s28+$0x30];
	_ =	sdelay $0x7  }
0x4a: {  	v2 =	vld.idx.msk [tilespmem:v1+s2+$0x0], $0xffff;
	_ =	sdelay $0x4  }
0x4b: {  	s24 =	sadd.s32 $0x8, s24;
	[tilespmem:s26+$0x30] =	vst v2  }
0x4c: {  	p0 =	slt.u32 s24, $0x38;
	v1 =	vld.idx.msk [tilespmem:v1+s13+$0x0], $0xffff  }
.Ltmp0:
0x4d: {  	_ = 	snop;
	(pc) =	sbr.rel @p0 .LBB2_2-.Ltmp0, $2  }
0x4e: {  	_ =	sdelay $0x2  }
0x4f: {  	s28 =	sadd.s32 $0x80, s28;
	s26 =	sadd.s32 $0x80, s26;
	[tilespmem:s25+$0x30] =	vst v1;
	s25 =	sadd.s32 $0x80, s25  }
0x50: {  	[hbm4b:s8+s2] =	stream.linear.scatter [tilespmem:s19], [sflag:$0x1], $0x400, $0x38;
	[tilespmem:$0x3900] =	vst v63  }
0x51: {  	s24 =	simm.s32 $0xFFFFFFF8  }
0x52: {  	s25 =	simm.s32 $0x3570;
	s26 =	simm.s32 $0x2D70;
	s28 =	simm.s32 $0x2570  }
0x53: {  	[hbm4b:s9+s2] =	stream.linear.scatter [tilespmem:s20], [sflag:$0x2], $0x400, $0x38;
	[tilespmem:$0x3900] =	vst v63  }
.LBB2_4:
0x54: {  	v1 =	vld [tilespmem:s28+$0xFFFFFF90];
	_ =	sdelay $0x7  }
0x55: {  	v2 =	vld.idx.msk [tilespmem:v1+s2+$0x0], $0xffff;
	_ =	sdelay $0x4  }
0x56: {  	[tilespmem:s26+$0xFFFFFF90] =	vst v2  }
0x57: {  	v1 =	vld.idx.msk [tilespmem:v1+s13+$0x0], $0xffff;
	_ =	sdelay $0x4  }
0x58: {  	[tilespmem:s25+$0xFFFFFF90] =	vst v1  }
0x59: {  	v1 =	vld [tilespmem:s28+$0xFFFFFFA0];
	_ =	sdelay $0x7  }
0x5a: {  	v2 =	vld.idx.msk [tilespmem:v1+s2+$0x0], $0xffff;
	_ =	sdelay $0x4  }
0x5b: {  	[tilespmem:s26+$0xFFFFFFA0] =	vst v2  }
0x5c: {  	v1 =	vld.idx.msk [tilespmem:v1+s13+$0x0], $0xffff;
	_ =	sdelay $0x4  }
0x5d: {  	[tilespmem:s25+$0xFFFFFFA0] =	vst v1  }
0x5e: {  	v1 =	vld [tilespmem:s28+$0xFFFFFFB0];
	_ =	sdelay $0x7  }
0x5f: {  	v2 =	vld.idx.msk [tilespmem:v1+s2+$0x0], $0xffff;
	_ =	sdelay $0x4  }
0x60: {  	[tilespmem:s26+$0xFFFFFFB0] =	vst v2  }
0x61: {  	v1 =	vld.idx.msk [tilespmem:v1+s13+$0x0], $0xffff;
	_ =	sdelay $0x4  }
0x62: {  	[tilespmem:s25+$0xFFFFFFB0] =	vst v1  }
0x63: {  	v1 =	vld [tilespmem:s28+$0xFFFFFFC0];
	_ =	sdelay $0x7  }
0x64: {  	v2 =	vld.idx.msk [tilespmem:v1+s2+$0x0], $0xffff;
	_ =	sdelay $0x4  }
0x65: {  	[tilespmem:s26+$0xFFFFFFC0] =	vst v2  }
0x66: {  	v1 =	vld.idx.msk [tilespmem:v1+s13+$0x0], $0xffff;
	_ =	sdelay $0x4  }
0x67: {  	[tilespmem:s25+$0xFFFFFFC0] =	vst v1  }
0x68: {  	v1 =	vld [tilespmem:s28+$0xFFFFFFD0];
	_ =	sdelay $0x7  }
0x69: {  	v2 =	vld.idx.msk [tilespmem:v1+s2+$0x0], $0xffff;
	_ =	sdelay $0x4  }
0x6a: {  	[tilespmem:s26+$0xFFFFFFD0] =	vst v2  }
0x6b: {  	v1 =	vld.idx.msk [tilespmem:v1+s13+$0x0], $0xffff;
	_ =	sdelay $0x4  }
0x6c: {  	[tilespmem:s25+$0xFFFFFFD0] =	vst v1  }
0x6d: {  	v1 =	vld [tilespmem:s28+$0xFFFFFFE0];
	_ =	sdelay $0x7  }
0x6e: {  	v2 =	vld.idx.msk [tilespmem:v1+s2+$0x0], $0xffff;
	_ =	sdelay $0x4  }
0x6f: {  	[tilespmem:s26+$0xFFFFFFE0] =	vst v2  }
0x70: {  	v1 =	vld.idx.msk [tilespmem:v1+s13+$0x0], $0xffff;
	_ =	sdelay $0x4  }
0x71: {  	[tilespmem:s25+$0xFFFFFFE0] =	vst v1  }
0x72: {  	v1 =	vld [tilespmem:s28+$0xFFFFFFF0];
	_ =	sdelay $0x7  }
0x73: {  	v2 =	vld.idx.msk [tilespmem:v1+s2+$0x0], $0xffff;
	_ =	sdelay $0x4  }
0x74: {  	[tilespmem:s26+$0xFFFFFFF0] =	vst v2  }
0x75: {  	v1 =	vld.idx.msk [tilespmem:v1+s13+$0x0], $0xffff;
	_ =	sdelay $0x4  }
0x76: {  	[tilespmem:s25+$0xFFFFFFF0] =	vst v1  }
0x77: {  	v1 =	vld [tilespmem:s28+$0x0];
	_ =	sdelay $0x7  }
0x78: {  	v2 =	vld.idx.msk [tilespmem:v1+s2+$0x0], $0xffff;
	_ =	sdelay $0x4  }
0x79: {  	s24 =	sadd.s32 $0x8, s24;
	[tilespmem:s26+$0x0] =	vst v2  }
0x7a: {  	p0 =	slt.u32 s24, $0x38;
	v1 =	vld.idx.msk [tilespmem:v1+s13+$0x0], $0xffff  }
.Ltmp1:
0x7b: {  	_ = 	snop;
	(pc) =	sbr.rel @p0 .LBB2_4-.Ltmp1, $2  }
0x7c: {  	_ =	sdelay $0x2  }
0x7d: {  	s28 =	sadd.s32 $0x80, s28;
	s26 =	sadd.s32 $0x80, s26;
	[tilespmem:s25+$0x0] =	vst v1;
	s25 =	sadd.s32 $0x80, s25  }
0x7e: {  	[hbm4b:s10+s2] =	stream.linear.scatter [tilespmem:s21], [sflag:$0x3], $0x400, $0x38;
	[tilespmem:$0x3900] =	vst v63  }
0x7f: {  	_ = 	snop  }
0x80: {  	[hbm4b:s11+s2] =	stream.linear.scatter [tilespmem:s22], [sflag:$0x4], $0x400, $0x38;
	[tilespmem:$0x3900] =	vst v63  }
0x81: {  	_ =	swait.ge [sflag:s3], $0x400  }
0x82: {  	[sflag:s3] =	ssyncset.done $0x0  }
0x83: {  	[sflag:s3] =	ssyncadd.s32 $0xFFFFFC00  }
0x84: {  	_ =	swait.ge [sflag:s18], $0x400  }
0x85: {  	[sflag:s18] =	ssyncset.done $0x0  }
0x86: {  	s23 =	sadd.s32 $0x1, s23;
	[sflag:s18] =	ssyncadd.s32 $0xFFFFFC00  }
0x87: {  	p0 =	sne.s32 s23, s12;
	_ =	swait.ge [sflag:s16], $0x400  }
.Ltmp2:
0x88: {  	[sflag:s16] =	ssyncset.done $0x0;
	(pc) =	sbr.rel @p0 .LBB2_1-.Ltmp2, $4  }
0x89: {  	[sflag:s16] =	ssyncadd.s32 $0xFFFFFC00  }
0x8a: {  	_ =	swait.ge [sflag:s17], $0x400  }
0x8b: {  	[sflag:s17] =	ssyncset.done $0x0  }
0x8c: {  	[sflag:s17] =	ssyncadd.s32 $0xFFFFFC00  }
0x8d: {  	_ =	sfence.sel $0x180000  }
0x8e: {  	[bflag:$0x0] =	sbarrier.arrive $0xFFFF  }
0x8f: {  	p0 =	sne.s32 s0, $0x0;
	_ =	strace $0x90000047  }
0x90: {  	s0 =	sadd.s32 @!p0 $0x100000, s1;
	[bflag:$0x2] =	sbarrier.arrive $0xFFFF  }
0x91: {  	[sflag:s0] =	ssyncadd.tile.s32 @!p0 $0x1;
	_ =	shalt  }
.Lfunc_end2:
_tile_overlayer_lowered:
.L_overlay_start_2:
0x92: {  	(tag) =	ssettag $0x2  }
0x93: {  	s0 =	rddreg [dreg:$0x0];
	s2 =	stileid.u32  }
0x94: {  	s1 =	rddreg [dreg:$0x1];
	p0 =	sne.s32 s2, $0x0  }
0x95: {  	s3 =	rddreg [dreg:$0x2];
	[bflag:$0x3] =	sbarrier.arrive $0xFFFF;
	s2 =	simm.s32 @!p0 $0x1C05  }
0x96: {  	[timem:s3], [sflag:s2] =	dma.local @!p0 [hbm:s0], s1  }
0x97: {  	s0 =	simm.s32 @!p0 $0x5  }
0x98: {  	_ =	swait.ge @!p0 [sflag:s0], s1  }
0x99: {  	s1 =	ssub.s32 @!p0 $0x0, s1;
	[sflag:s0] =	ssyncset.done @!p0 $0x0  }
0x9a: {  	[sflag:s0] =	ssyncadd.s32 @!p0 s1  }
0x9b: {  	[bflag:$0x3] =	sbarrier.arrive $0xFFFF  }
0x9c: {  	_ =	shalt  }

</sc_bundles>
